<compile_context>
chip_gen: v7x
topology: tpu7x:2x2x1
jax: 0.10.2.dev20260603
libtpu: 0.0.44.dev20260713+nightly
codegen_flags: <defaults>
</compile_context>

<pallas_src>
import functools

import jax
import jax.numpy as jnp
from jax import lax
from jax.experimental import pallas as pl
from jax.experimental.pallas import tpu as pltpu
from jax.experimental.pallas import tpu_sc as plsc

N = 10000
E = 320000
D = 128
H2 = 64
NC_OUT = 10
EPS = 1e-5
BN_INV = 1.0 / (1.0 + EPS) ** 0.5

NCORES = 2
NSUB = 16
NW = NCORES * NSUB
CH = 80
NCH0 = 126
NCH1 = 124
NCH = NCH0
NPAD = 10240
RPT = NPAD // NSUB


def _fill_2d(ref, rows, cols, val):
    v = jnp.full((16,), val, jnp.float32)
    nc = cols // 16

    def body(i, _):
        r = i // nc
        c = i % nc
        ref[r, pl.ds(c * 16, 16)] = v
        return 0

    lax.fori_loop(0, rows * nc, body, 0)


@functools.lru_cache(maxsize=None)
def _make_sc_agg(width, pairs0=NCH0 // 2, pairs1=NCH1 // 2):
    mesh = plsc.VectorSubcoreMesh(core_axis_name="c", subcore_axis_name="s")

    def body(tbl_hbm, src_hbm, dst_hbm, acc_out,
             srcv, dstv, rows_a, rows_b, accs, ga, gb, sa, sb):
        cid = lax.axis_index("c")
        sid = lax.axis_index("s")
        wid = cid * NSUB + sid
        base = sid * RPT

        _fill_2d(rows_a, CH, width, 0.0)
        _fill_2d(rows_b, CH, width, 0.0)
        for k in range(RPT // CH):
            pltpu.sync_copy(rows_a, accs.at[pl.ds(base + k * CH, CH)])
        tail = RPT % CH
        if tail:
            pltpu.sync_copy(rows_a.at[pl.ds(0, tail)],
                            accs.at[pl.ds(base + RPT - tail, tail)])
        plsc.subcore_barrier()

        pltpu.sync_copy(src_hbm.at[wid], srcv.at[pl.ds(0, NCH)])
        zi = jnp.zeros((16,), jnp.int32)
        for k in range(CH // 16):
            srcv[NCH, pl.ds(k * 16, 16)] = zi
        pltpu.sync_copy(dst_hbm.at[wid], dstv)

        def gather(c, buf, sem):
            return pltpu.async_copy(tbl_hbm.at[srcv.at[c]], buf, sem)

        def scatter(c, buf, sem):
            return pltpu.async_copy(buf, accs.at[dstv.at[c]], sem, add=True)

        def wait_gather(buf, sem):
            pltpu.make_async_copy(tbl_hbm.at[srcv.at[0]], buf, sem).wait()

        def wait_scatter(buf, sem):
            pltpu.make_async_copy(buf, accs.at[dstv.at[0]], sem).wait()

        scatter(0, rows_b, sb)
        gather(0, rows_a, ga)

        def pair(i, _):
            c0 = 2 * i
            wait_scatter(rows_b, sb)
            gather(c0 + 1, rows_b, gb)
            wait_gather(rows_a, ga)
            scatter(c0, rows_a, sa)
            wait_scatter(rows_a, sa)
            gather(c0 + 2, rows_a, ga)
            wait_gather(rows_b, gb)
            scatter(c0 + 1, rows_b, sb)
            return 0

        npairs = jnp.where(cid == 0, pairs0, pairs1)
        lax.fori_loop(0, npairs, pair, 0)
        wait_scatter(rows_b, sb)
        wait_gather(rows_a, ga)
        plsc.subcore_barrier()

        pltpu.sync_copy(accs.at[pl.ds(base, RPT)], acc_out.at[cid, pl.ds(base, RPT)])

    return pl.kernel(
        body,
        out_type=jax.ShapeDtypeStruct((NCORES, NPAD, width), jnp.float32),
        mesh=mesh,
        compiler_params=pltpu.CompilerParams(use_tc_tiling_on_sc=False),
        scratch_types=[
            pltpu.VMEM((NCH + 1, CH), jnp.int32),
            pltpu.VMEM((NCH, CH), jnp.int32),
            pltpu.VMEM((CH, width), jnp.float32),
            pltpu.VMEM((CH, width), jnp.float32),
            pltpu.VMEM_SHARED((NPAD, width), jnp.float32),
            pltpu.SemaphoreType.DMA,
            pltpu.SemaphoreType.DMA,
            pltpu.SemaphoreType.DMA,
            pltpu.SemaphoreType.DMA,
        ])


@functools.lru_cache(maxsize=None)
def _make_sc_cnt():
    mesh = plsc.VectorSubcoreMesh(core_axis_name="c", subcore_axis_name="s")

    def body(dst_hbm, cnt_out, dstv, hist):
        cid = lax.axis_index("c")
        sid = lax.axis_index("s")
        wid = cid * NSUB + sid

        z = jnp.zeros((16,), jnp.float32)

        def zb(i, _):
            hist[pl.ds(i * 16, 16)] = z
            return 0

        lax.fori_loop(0, NPAD // 16, zb, 0)

        pltpu.sync_copy(dst_hbm.at[wid], dstv)
        ones = jnp.ones((16,), jnp.float32)
        ng = CH // 16

        def g(i, _):
            ids = dstv[i // ng, pl.ds((i % ng) * 16, 16)]
            plsc.addupdate_scatter(hist, [ids], ones)
            return 0

        lax.fori_loop(0, NCH * ng, g, 0)
        pltpu.sync_copy(hist, cnt_out.at[wid])

    return pl.kernel(
        body,
        out_type=jax.ShapeDtypeStruct((NW, NPAD), jnp.float32),
        mesh=mesh,
        compiler_params=pltpu.CompilerParams(use_tc_tiling_on_sc=False,
                                             needs_layout_passes=False),
        scratch_types=[
            pltpu.VMEM((NCH, CH), jnp.int32),
            pltpu.VMEM((NPAD,), jnp.float32),
        ])


def _sc_agg_d(tbl, src3, dst3):
    return (_make_sc_agg(D)(tbl, src3, dst3), _make_sc_cnt()(dst3))


def _sc_agg_h2(tbl, src3, dst3):
    return (_make_sc_agg(H2)(tbl, src3, dst3),)


R = 1000


def _tc1_body(x_ref, p_ref, c_ref, w1l_ref, w1r_ref, b1l_ref, g1_ref, be1_ref,
              w2l_ref, w2r_ref, o1_ref, o2_ref):
    p = p_ref[0] + p_ref[1]
    cnt = jnp.maximum(jnp.sum(c_ref[...], axis=1), 1.0)[:, None]
    mean = p / cnt
    h = (jnp.dot(mean, w1l_ref[...], preferred_element_type=jnp.float32)
         + b1l_ref[...]
         + jnp.dot(x_ref[...], w1r_ref[...], preferred_element_type=jnp.float32))
    h = h * (BN_INV * g1_ref[...]) + be1_ref[...]
    h = jnp.maximum(h, 0.0)
    o1_ref[...] = jnp.dot(h, w2l_ref[...], preferred_element_type=jnp.float32)
    o2_ref[...] = jnp.dot(h, w2r_ref[...], preferred_element_type=jnp.float32)


def _tc1(x, p, c, w1l, w1r, b1l, g1, be1, w2l, w2r):
    return pl.pallas_call(
        _tc1_body,
        grid=(N // R,),
        in_specs=[
            pl.BlockSpec((R, D), lambda i: (i, 0)),
            pl.BlockSpec((NCORES, R, D), lambda i: (0, i, 0)),
            pl.BlockSpec((R, NW), lambda i: (i, 0)),
            pl.BlockSpec((D, D), lambda i: (0, 0)),
            pl.BlockSpec((D, D), lambda i: (0, 0)),
            pl.BlockSpec((1, D), lambda i: (0, 0)),
            pl.BlockSpec((1, D), lambda i: (0, 0)),
            pl.BlockSpec((1, D), lambda i: (0, 0)),
            pl.BlockSpec((D, H2), lambda i: (0, 0)),
            pl.BlockSpec((D, H2), lambda i: (0, 0)),
        ],
        out_specs=[
            pl.BlockSpec((R, H2), lambda i: (i, 0)),
            pl.BlockSpec((R, H2), lambda i: (i, 0)),
        ],
        out_shape=[
            jax.ShapeDtypeStruct((N, H2), jnp.float32),
            jax.ShapeDtypeStruct((N, H2), jnp.float32),
        ],
    )(x, p, c, w1l, w1r, b1l, g1, be1, w2l, w2r)


def _tc2_body(q_ref, c_ref, hr_ref, b2l_ref, g2_ref, be2_ref, wh_ref, bh_ref,
              o_ref):
    q = q_ref[0] + q_ref[1]
    cnt = jnp.maximum(jnp.sum(c_ref[...], axis=1), 1.0)[:, None]
    pre = q / cnt + b2l_ref[...] + hr_ref[...]
    h = jnp.maximum(pre * (BN_INV * g2_ref[...]) + be2_ref[...], 0.0)
    o_ref[...] = (jnp.dot(h, wh_ref[...], preferred_element_type=jnp.float32)
                  + bh_ref[...])


def _tc2(q, c, hr, b2l, g2, be2, wh, bh):
    return pl.pallas_call(
        _tc2_body,
        grid=(N // R,),
        in_specs=[
            pl.BlockSpec((NCORES, R, H2), lambda i: (0, i, 0)),
            pl.BlockSpec((R, NW), lambda i: (i, 0)),
            pl.BlockSpec((R, H2), lambda i: (i, 0)),
            pl.BlockSpec((1, H2), lambda i: (0, 0)),
            pl.BlockSpec((1, H2), lambda i: (0, 0)),
            pl.BlockSpec((1, H2), lambda i: (0, 0)),
            pl.BlockSpec((H2, NC_OUT), lambda i: (0, 0)),
            pl.BlockSpec((1, NC_OUT), lambda i: (0, 0)),
        ],
        out_specs=pl.BlockSpec((R, NC_OUT), lambda i: (i, 0)),
        out_shape=jax.ShapeDtypeStruct((N, NC_OUT), jnp.float32),
    )(q, c, hr, b2l, g2, be2, wh, bh)


def kernel(x, ei, W1l, b1l, W1r, g1, be1, W2l, b2l, W2r, g2, be2, Wh, bh):
    src = ei[0].astype(jnp.int32)
    dst = ei[1].astype(jnp.int32)
    split = 16 * NCH0 * CH
    s0 = src[:split].reshape(16, NCH0, CH)
    d0 = dst[:split].reshape(16, NCH0, CH)
    s1 = src[split:].reshape(16, NCH1, CH)
    d1 = dst[split:].reshape(16, NCH1, CH)
    src3 = jnp.concatenate([s0, jnp.concatenate(
        [s1, jnp.zeros((16, NCH - NCH1, CH), jnp.int32)], axis=1)], axis=0)
    dst3 = jnp.concatenate([d0, jnp.concatenate(
        [d1, jnp.full((16, NCH - NCH1, CH), N, jnp.int32)], axis=1)], axis=0)

    p, c = _sc_agg_d(x, src3, dst3)
    c = c.T
    h2l, h2r = _tc1(x, p, c, W1l, W1r, b1l.reshape(1, D), g1.reshape(1, D),
                    be1.reshape(1, D), W2l, W2r)
    (q,) = _sc_agg_h2(h2l, src3, dst3)
    return _tc2(q, c, h2r, b2l.reshape(1, H2), g2.reshape(1, H2),
                be2.reshape(1, H2), Wh, bh.reshape(1, NC_OUT))

# --- scband reference (transcript-rebuilt; emitter-appended) ---
"""Pipeline reference for scband-sageclf-9560597201501 (READ-ONLY COPY).

The authoritative reference and input builder live on the scoring server;
editing this copy changes nothing except your own understanding.
"""

import jax, jax.numpy as jnp
import numpy as np

N_NODES = 10000
N_EDGES = 320000
D = 128
H = 128
NC = 10
EPS = 1e-5


def _sage_conv(x, ei, Wl, bl, Wr):
    # PyG SAGEConv, aggr='mean': out = lin_l(mean_{j in N(i)} x_j) + lin_r(x_i)
    src = ei[0]
    dst = ei[1]
    msg = jnp.take(x, src, axis=0)
    agg = jax.ops.segment_sum(msg, dst, num_segments=N_NODES)
    cnt = jax.ops.segment_sum(jnp.ones((msg.shape[0],), dtype=x.dtype), dst, num_segments=N_NODES)
    mean = agg / jnp.clip(cnt, 1.0, None)[:, None]
    return mean @ Wl + bl + x @ Wr


def _bn_eval(x, gamma, beta):
    # eval-mode BatchNorm1d with running_mean=0, running_var=1
    return (x - 0.0) / jnp.sqrt(1.0 + EPS) * gamma + beta


def setup_inputs(seed: int = 0) -> dict:
    key = jax.random.key(seed)
    ks = jax.random.split(key, 12)
    x = jax.random.normal(ks[0], (N_NODES, D), dtype=jnp.float32)
    ei = jax.random.randint(ks[1], (2, N_EDGES), 0, N_NODES, dtype=jnp.int64 if jax.config.jax_enable_x64 else jnp.int32)
    s1 = 1.0 / np.sqrt(D)
    s2 = 1.0 / np.sqrt(H)
    sh = 1.0 / np.sqrt(H // 2)
    W1l = jax.random.uniform(ks[2], (D, H), jnp.float32, -s1, s1)
    b1l = jax.random.uniform(ks[3], (H,), jnp.float32, -s1, s1)
    W1r = jax.random.uniform(ks[4], (D, H), jnp.float32, -s1, s1)
    W2l = jax.random.uniform(ks[5], (H, H // 2), jnp.float32, -s2, s2)
    b2l = jax.random.uniform(ks[6], (H // 2,), jnp.float32, -s2, s2)
    W2r = jax.random.uniform(ks[7], (H, H // 2), jnp.float32, -s2, s2)
    g1 = jnp.ones((H,), jnp.float32)
    be1 = jnp.zeros((H,), jnp.float32)
    g2 = jnp.ones((H // 2,), jnp.float32)
    be2 = jnp.zeros((H // 2,), jnp.float32)
    Wh = jax.random.uniform(ks[8], (H // 2, NC), jnp.float32, -sh, sh)
    bh = jax.random.uniform(ks[9], (NC,), jnp.float32, -sh, sh)
    return {"x": x, "ei": ei, "W1l": W1l, "b1l": b1l, "W1r": W1r, "g1": g1, "be1": be1,
            "W2l": W2l, "b2l": b2l, "W2r": W2r, "g2": g2, "be2": be2, "Wh": Wh, "bh": bh}


def reference(x, ei, W1l, b1l, W1r, g1, be1, W2l, b2l, W2r, g2, be2, Wh, bh):
    h = _sage_conv(x, ei, W1l, b1l, W1r)
    h = jax.nn.relu(_bn_eval(h, g1, be1))
    # dropout disabled (eval mode)
    h = _sage_conv(h, ei, W2l, b2l, W2r)
    h = jax.nn.relu(_bn_eval(h, g2, be2))
    return h @ Wh + bh

if __name__ == "__main__":
    import jax
    _d = setup_inputs()
    print(jax.jit(kernel)(*tuple(_d.values())))

</pallas_src>

<mosaic_0001>
#map = affine_map<(d0, d1) -> (0, 0, 0)>
#map1 = affine_map<(d0, d1) -> (0, 0)>
module attributes {stable_mosaic.version = 14 : i64} {
  func.func @body(%arg0: i32, %arg1: i32, %arg2: memref<32x126x80xi32, #tpu.memory_space<hbm>>, %arg3: memref<32x10240xf32, #tpu.memory_space<hbm>>, %arg4: memref<126x80xi32, #tpu.memory_space<vmem>>, %arg5: memref<10240xf32, #tpu.memory_space<vmem>>) attributes {dimension_semantics = [#tpu.dimension_semantics<core_parallel>, #tpu.dimension_semantics<subcore_parallel>], iteration_bounds = array<i64: 2, 16>, scalar_prefetch = 0 : i64, scratch_operands = 2 : i64, tpu.core_type = #tpu.core_type<sc_vector_subcore>, window_params = [{transform_indices = #map}, {transform_indices = #map1}]} {
    %mul3A = arith.constant 16 : i32
    %mul3A_0 = arith.muli %arg0, %mul3A : i32
    %add3A = arith.addi %mul3A_0, %arg1 : i32
    %broadcast_in_dim3A = arith.constant 0.000000e+00 : f32
    %broadcast_in_dim3A_1 = vector.broadcast %broadcast_in_dim3A : f32 to vector<16xf32>
    %scan3A = arith.constant 0 : i32
    %scan3A_2 = arith.constant 0 : i32
    %scan3A_3 = arith.constant 640 : i32
    %scan3A_4 = arith.addi %scan3A_2, %scan3A_3 : i32
    %scan3A_5 = arith.constant 1 : i32
    %scan3A_6 = scf.for %scan3A_17 = %scan3A_2 to %scan3A_4 step %scan3A_5 iter_args(%scan3A_18 = %scan3A) -> (i32)  : i32 {
      %mul3A_19 = arith.constant 16 : i32
      %mul3A_20 = arith.muli %scan3A_17, %mul3A_19 : i32
      %swap3A = arith.index_cast %mul3A_20 : i32 to index
      %swap3A_21 = tpu.vector_load %arg5[%swap3A] {strides = array<i32>} : memref<10240xf32, #tpu.memory_space<vmem>>, vector<16xf32>,
      tpu.vector_store %arg5[%swap3A], %broadcast_in_dim3A_1 {strides = array<i32>} : memref<10240xf32, #tpu.memory_space<vmem>>, vector<16xf32>,
      %scan3A_22 = arith.constant 0 : i32
      scf.yield %scan3A_22 : i32
    }
    %scan3A_7 = arith.constant 640 : i32
    "tpu.region"() ({
      %run_scoped3A = tpu.sem_alloc : memref<!tpu.dma_semaphore, #tpu.memory_space<semaphore_mem>>
      %dma_start3A = arith.constant 0 : i32
      %dma_start3A_17 = arith.constant 0 : i32
      %dma_start3A_18 = tpu.memref_slice %arg2[%add3A, %dma_start3A, %dma_start3A_17] : memref<32x126x80xi32, #tpu.memory_space<hbm>> -> memref<1x126x80xi32, #tpu.memory_space<hbm>>
      %dma_start3A_19 = tpu.memref_squeeze %dma_start3A_18 : memref<1x126x80xi32, #tpu.memory_space<hbm>> -> memref<126x80xi32, #tpu.memory_space<hbm>>
      %dma_start3A_20 = arith.constant 0 : i32
      %dma_start3A_21 = arith.constant 0 : i32
      %dma_start3A_22 = tpu.memref_slice %arg2[%add3A, %dma_start3A_20, %dma_start3A_21] : memref<32x126x80xi32, #tpu.memory_space<hbm>> -> memref<1x126x80xi32, #tpu.memory_space<hbm>>
      %dma_start3A_23 = tpu.memref_squeeze %dma_start3A_22 : memref<1x126x80xi32, #tpu.memory_space<hbm>> -> memref<126x80xi32, #tpu.memory_space<hbm>>
      tpu.enqueue_dma source(%dma_start3A_23 : memref<126x80xi32, #tpu.memory_space<hbm>>) target(%arg4 : memref<126x80xi32, #tpu.memory_space<vmem>>) target_semaphore(%run_scoped3A : memref<!tpu.dma_semaphore, #tpu.memory_space<semaphore_mem>>)
      %dma_wait3A = arith.constant 0 : i32
      %dma_wait3A_24 = arith.constant 0 : i32
      %dma_wait3A_25 = tpu.memref_slice %arg2[%add3A, %dma_wait3A, %dma_wait3A_24] : memref<32x126x80xi32, #tpu.memory_space<hbm>> -> memref<1x126x80xi32, #tpu.memory_space<hbm>>
      %dma_wait3A_26 = tpu.memref_squeeze %dma_wait3A_25 : memref<1x126x80xi32, #tpu.memory_space<hbm>> -> memref<126x80xi32, #tpu.memory_space<hbm>>
      %dma_wait3A_27 = arith.constant 0 : i32
      %dma_wait3A_28 = arith.constant 0 : i32
      %dma_wait3A_29 = tpu.memref_slice %arg2[%add3A, %dma_wait3A_27, %dma_wait3A_28] : memref<32x126x80xi32, #tpu.memory_space<hbm>> -> memref<1x126x80xi32, #tpu.memory_space<hbm>>
      %dma_wait3A_30 = tpu.memref_squeeze %dma_wait3A_29 : memref<1x126x80xi32, #tpu.memory_space<hbm>> -> memref<126x80xi32, #tpu.memory_space<hbm>>
      tpu.wait_dma2 semaphore(%run_scoped3A : memref<!tpu.dma_semaphore, #tpu.memory_space<semaphore_mem>>) src(%dma_wait3A_30 : memref<126x80xi32, #tpu.memory_space<hbm>>) dst(%arg4 : memref<126x80xi32, #tpu.memory_space<vmem>>)
      tpu.yield
    }) : () -> ()
    %broadcast_in_dim3A_8 = arith.constant 1.000000e+00 : f32
    %broadcast_in_dim3A_9 = vector.broadcast %broadcast_in_dim3A_8 : f32 to vector<16xf32>
    %scan3A_10 = arith.constant 0 : i32
    %scan3A_11 = arith.constant 0 : i32
    %scan3A_12 = arith.constant 630 : i32
    %scan3A_13 = arith.addi %scan3A_11, %scan3A_12 : i32
    %scan3A_14 = arith.constant 1 : i32
    %scan3A_15 = scf.for %scan3A_17 = %scan3A_11 to %scan3A_13 step %scan3A_14 iter_args(%scan3A_18 = %scan3A_10) -> (i32)  : i32 {
      %jit3A = arith.constant 5 : i32
      %div3A = arith.divsi %scan3A_17, %jit3A : i32
      %sign3A = arith.constant 0 : i32
      %sign3A_19 = arith.cmpi sgt, %scan3A_17, %sign3A : i32
      %sign3A_20 = arith.extui %sign3A_19 : i1 to i32
      %sign3A_21 = arith.constant 0 : i32
      %sign3A_22 = arith.cmpi slt, %scan3A_17, %sign3A_21 : i32
      %sign3A_23 = arith.extui %sign3A_22 : i1 to i32
      %sign3A_24 = arith.subi %sign3A_20, %sign3A_23 : i32
      %sign3A_25 = arith.constant 0 : i32
      %sign3A_26 = arith.cmpi sgt, %jit3A, %sign3A_25 : i32
      %sign3A_27 = arith.extui %sign3A_26 : i1 to i32
      %sign3A_28 = arith.constant 0 : i32
      %sign3A_29 = arith.cmpi slt, %jit3A, %sign3A_28 : i32
      %sign3A_30 = arith.extui %sign3A_29 : i1 to i32
      %sign3A_31 = arith.subi %sign3A_27, %sign3A_30 : i32
      %ne3A = arith.cmpi ne, %sign3A_24, %sign3A_31 : i32
      %rem3A = arith.remsi %scan3A_17, %jit3A : i32
      %ne3A_32 = arith.constant 0 : i32
      %ne3A_33 = arith.cmpi ne, %rem3A, %ne3A_32 : i32
      %and3A = arith.andi %ne3A, %ne3A_33 : i1
      %sub3A = arith.constant 1 : i32
      %sub3A_34 = arith.subi %div3A, %sub3A : i32
      %select_n3A = arith.select %and3A, %sub3A_34, %div3A : i32
      %jit3A_35 = arith.constant 5 : i32
      %eq3A = arith.constant 0 : i32
      %eq3A_36 = arith.cmpi eq, %jit3A_35, %eq3A : i32
      %jit3A_37 = arith.constant 1 : i32
      %select_n3A_38 = arith.select %eq3A_36, %jit3A_37, %jit3A_35 : i32
      %rem3A_39 = arith.remsi %scan3A_17, %select_n3A_38 : i32
      %ne3A_40 = arith.constant 0 : i32
      %ne3A_41 = arith.cmpi ne, %rem3A_39, %ne3A_40 : i32
      %lt3A = arith.constant 0 : i32
      %lt3A_42 = arith.cmpi slt, %rem3A_39, %lt3A : i32
      %lt3A_43 = arith.constant 0 : i32
      %lt3A_44 = arith.cmpi slt, %select_n3A_38, %lt3A_43 : i32
      %ne3A_45 = arith.xori %lt3A_42, %lt3A_44 : i1
      %and3A_46 = arith.andi %ne3A_45, %ne3A_41 : i1
      %add3A_47 = arith.addi %rem3A_39, %select_n3A_38 : i32
      %select_n3A_48 = arith.select %and3A_46, %add3A_47, %rem3A_39 : i32
      %mul3A_49 = arith.constant 16 : i32
      %mul3A_50 = arith.muli %select_n3A_48, %mul3A_49 : i32
      %get3A = arith.index_cast %select_n3A : i32 to index
      %get3A_51 = arith.index_cast %mul3A_50 : i32 to index
      %get3A_52 = tpu.vector_load %arg4[%get3A, %get3A_51] {strides = array<i32>} : memref<126x80xi32, #tpu.memory_space<vmem>>, vector<16xi32>,
      tpu.vector_store_idx %arg5[%get3A_52], %broadcast_in_dim3A_9 {add = true} : memref<10240xf32, #tpu.memory_space<vmem>>[vector<16xi32>], vector<16xf32>,
      %scan3A_53 = arith.constant 0 : i32
      scf.yield %scan3A_53 : i32
    }
    %scan3A_16 = arith.constant 630 : i32
    "tpu.region"() ({
      %run_scoped3A = tpu.sem_alloc : memref<!tpu.dma_semaphore, #tpu.memory_space<semaphore_mem>>
      %dma_start3A = arith.constant 0 : i32
      %dma_start3A_17 = tpu.memref_slice %arg3[%add3A, %dma_start3A] : memref<32x10240xf32, #tpu.memory_space<hbm>> -> memref<1x10240xf32, #tpu.memory_space<hbm>>
      %dma_start3A_18 = tpu.memref_squeeze %dma_start3A_17 : memref<1x10240xf32, #tpu.memory_space<hbm>> -> memref<10240xf32, #tpu.memory_space<hbm>>
      %dma_start3A_19 = arith.constant 0 : i32
      %dma_start3A_20 = tpu.memref_slice %arg3[%add3A, %dma_start3A_19] : memref<32x10240xf32, #tpu.memory_space<hbm>> -> memref<1x10240xf32, #tpu.memory_space<hbm>>
      %dma_start3A_21 = tpu.memref_squeeze %dma_start3A_20 : memref<1x10240xf32, #tpu.memory_space<hbm>> -> memref<10240xf32, #tpu.memory_space<hbm>>
      tpu.enqueue_dma source(%arg5 : memref<10240xf32, #tpu.memory_space<vmem>>) target(%dma_start3A_21 : memref<10240xf32, #tpu.memory_space<hbm>>) target_semaphore(%run_scoped3A : memref<!tpu.dma_semaphore, #tpu.memory_space<semaphore_mem>>)
      %dma_wait3A = arith.constant 0 : i32
      %dma_wait3A_22 = tpu.memref_slice %arg3[%add3A, %dma_wait3A] : memref<32x10240xf32, #tpu.memory_space<hbm>> -> memref<1x10240xf32, #tpu.memory_space<hbm>>
      %dma_wait3A_23 = tpu.memref_squeeze %dma_wait3A_22 : memref<1x10240xf32, #tpu.memory_space<hbm>> -> memref<10240xf32, #tpu.memory_space<hbm>>
      %dma_wait3A_24 = arith.constant 0 : i32
      %dma_wait3A_25 = tpu.memref_slice %arg3[%add3A, %dma_wait3A_24] : memref<32x10240xf32, #tpu.memory_space<hbm>> -> memref<1x10240xf32, #tpu.memory_space<hbm>>
      %dma_wait3A_26 = tpu.memref_squeeze %dma_wait3A_25 : memref<1x10240xf32, #tpu.memory_space<hbm>> -> memref<10240xf32, #tpu.memory_space<hbm>>
      tpu.wait_dma2 semaphore(%run_scoped3A : memref<!tpu.dma_semaphore, #tpu.memory_space<semaphore_mem>>) src(%arg5 : memref<10240xf32, #tpu.memory_space<vmem>>) dst(%dma_wait3A_26 : memref<10240xf32, #tpu.memory_space<hbm>>)
      tpu.yield
    }) : () -> ()
    return
  }
}

#map = affine_map<(d0, d1) -> (0, 0)>
#map1 = affine_map<(d0, d1) -> (0, 0, 0)>
module attributes {stable_mosaic.version = 14 : i64} {
  func.func @body(%arg0: i32, %arg1: i32, %arg2: memref<10000x128xf32, #tpu.memory_space<hbm>>, %arg3: memref<32x126x80xi32, #tpu.memory_space<hbm>>, %arg4: memref<32x126x80xi32, #tpu.memory_space<hbm>>, %arg5: memref<2x10240x128xf32, #tpu.memory_space<hbm>>, %arg6: memref<127x80xi32, #tpu.memory_space<vmem>>, %arg7: memref<126x80xi32, #tpu.memory_space<vmem>>, %arg8: memref<80x128xf32, #tpu.memory_space<vmem>>, %arg9: memref<80x128xf32, #tpu.memory_space<vmem>>, %arg10: memref<10240x128xf32, #tpu.memory_space<vmem_shared>>, %arg11: memref<!tpu.dma_semaphore, #tpu.memory_space<semaphore_mem>>, %arg12: memref<!tpu.dma_semaphore, #tpu.memory_space<semaphore_mem>>, %arg13: memref<!tpu.dma_semaphore, #tpu.memory_space<semaphore_mem>>, %arg14: memref<!tpu.dma_semaphore, #tpu.memory_space<semaphore_mem>>) attributes {dimension_semantics = [#tpu.dimension_semantics<core_parallel>, #tpu.dimension_semantics<subcore_parallel>], iteration_bounds = array<i64: 2, 16>, scalar_prefetch = 0 : i64, scratch_operands = 9 : i64, tpu.core_type = #tpu.core_type<sc_vector_subcore>, window_params = [{transform_indices = #map}, {transform_indices = #map1}, {transform_indices = #map1}, {transform_indices = #map1}]} {
    %mul3A = arith.constant 16 : i32
    %mul3A_0 = arith.muli %arg0, %mul3A : i32
    %add3A = arith.addi %mul3A_0, %arg1 : i32
    %mul3A_1 = arith.constant 640 : i32
    %mul3A_2 = arith.muli %arg1, %mul3A_1 : i32
    %broadcast_in_dim3A = arith.constant 0.000000e+00 : f32
    %broadcast_in_dim3A_3 = vector.broadcast %broadcast_in_dim3A : f32 to vector<16xf32>
    %scan3A = arith.constant 0 : i32
    %scan3A_4 = arith.constant 0 : i32
    %scan3A_5 = arith.constant 640 : i32
    %scan3A_6 = arith.addi %scan3A_4, %scan3A_5 : i32
    %scan3A_7 = arith.constant 1 : i32
    %scan3A_8 = scf.for %scan3A_106 = %scan3A_4 to %scan3A_6 step %scan3A_7 iter_args(%scan3A_107 = %scan3A) -> (i32)  : i32 {
      %jit3A_108 = arith.constant 8 : i32
      %div3A = arith.divsi %scan3A_106, %jit3A_108 : i32
      %sign3A = arith.constant 0 : i32
      %sign3A_109 = arith.cmpi sgt, %scan3A_106, %sign3A : i32
      %sign3A_110 = arith.extui %sign3A_109 : i1 to i32
      %sign3A_111 = arith.constant 0 : i32
      %sign3A_112 = arith.cmpi slt, %scan3A_106, %sign3A_111 : i32
      %sign3A_113 = arith.extui %sign3A_112 : i1 to i32
      %sign3A_114 = arith.subi %sign3A_110, %sign3A_113 : i32
      %sign3A_115 = arith.constant 0 : i32
      %sign3A_116 = arith.cmpi sgt, %jit3A_108, %sign3A_115 : i32
      %sign3A_117 = arith.extui %sign3A_116 : i1 to i32
      %sign3A_118 = arith.constant 0 : i32
      %sign3A_119 = arith.cmpi slt, %jit3A_108, %sign3A_118 : i32
      %sign3A_120 = arith.extui %sign3A_119 : i1 to i32
      %sign3A_121 = arith.subi %sign3A_117, %sign3A_120 : i32
      %ne3A = arith.cmpi ne, %sign3A_114, %sign3A_121 : i32
      %rem3A = arith.remsi %scan3A_106, %jit3A_108 : i32
      %ne3A_122 = arith.constant 0 : i32
      %ne3A_123 = arith.cmpi ne, %rem3A, %ne3A_122 : i32
      %and3A = arith.andi %ne3A, %ne3A_123 : i1
      %sub3A = arith.constant 1 : i32
      %sub3A_124 = arith.subi %div3A, %sub3A : i32
      %select_n3A_125 = arith.select %and3A, %sub3A_124, %div3A : i32
      %jit3A_126 = arith.constant 8 : i32
      %eq3A_127 = arith.constant 0 : i32
      %eq3A_128 = arith.cmpi eq, %jit3A_126, %eq3A_127 : i32
      %jit3A_129 = arith.constant 1 : i32
      %select_n3A_130 = arith.select %eq3A_128, %jit3A_129, %jit3A_126 : i32
      %rem3A_131 = arith.remsi %scan3A_106, %select_n3A_130 : i32
      %ne3A_132 = arith.constant 0 : i32
      %ne3A_133 = arith.cmpi ne, %rem3A_131, %ne3A_132 : i32
      %lt3A = arith.constant 0 : i32
      %lt3A_134 = arith.cmpi slt, %rem3A_131, %lt3A : i32
      %lt3A_135 = arith.constant 0 : i32
      %lt3A_136 = arith.cmpi slt, %select_n3A_130, %lt3A_135 : i32
      %ne3A_137 = arith.xori %lt3A_134, %lt3A_136 : i1
      %and3A_138 = arith.andi %ne3A_137, %ne3A_133 : i1
      %add3A_139 = arith.addi %rem3A_131, %select_n3A_130 : i32
      %select_n3A_140 = arith.select %and3A_138, %add3A_139, %rem3A_131 : i32
      %mul3A_141 = arith.constant 16 : i32
      %mul3A_142 = arith.muli %select_n3A_140, %mul3A_141 : i32
      %swap3A_143 = arith.index_cast %select_n3A_125 : i32 to index
      %swap3A_144 = arith.index_cast %mul3A_142 : i32 to index
      %swap3A_145 = tpu.vector_load %arg8[%swap3A_143, %swap3A_144] {strides = array<i32>} : memref<80x128xf32, #tpu.memory_space<vmem>>, vector<1x16xf32>,
      %swap3A_146 = vector.shape_cast %swap3A_145 : vector<1x16xf32> to vector<16xf32>
      %swap3A_147 = vector.shape_cast %broadcast_in_dim3A_3 : vector<16xf32> to vector<1x16xf32>
      tpu.vector_store %arg8[%swap3A_143, %swap3A_144], %swap3A_147 {strides = array<i32>} : memref<80x128xf32, #tpu.memory_space<vmem>>, vector<1x16xf32>,
      %scan3A_148 = arith.constant 0 : i32
      scf.yield %scan3A_148 : i32
    }
    %scan3A_9 = arith.constant 640 : i32
    %broadcast_in_dim3A_10 = arith.constant 0.000000e+00 : f32
    %broadcast_in_dim3A_11 = vector.broadcast %broadcast_in_dim3A_10 : f32 to vector<16xf32>
    %scan3A_12 = arith.constant 0 : i32
    %scan3A_13 = arith.constant 0 : i32
    %scan3A_14 = arith.constant 640 : i32
    %scan3A_15 = arith.addi %scan3A_13, %scan3A_14 : i32
    %scan3A_16 = arith.constant 1 : i32
    %scan3A_17 = scf.for %scan3A_106 = %scan3A_13 to %scan3A_15 step %scan3A_16 iter_args(%scan3A_107 = %scan3A_12) -> (i32)  : i32 {
      %jit3A_108 = arith.constant 8 : i32
      %div3A = arith.divsi %scan3A_106, %jit3A_108 : i32
      %sign3A = arith.constant 0 : i32
      %sign3A_109 = arith.cmpi sgt, %scan3A_106, %sign3A : i32
      %sign3A_110 = arith.extui %sign3A_109 : i1 to i32
      %sign3A_111 = arith.constant 0 : i32
      %sign3A_112 = arith.cmpi slt, %scan3A_106, %sign3A_111 : i32
      %sign3A_113 = arith.extui %sign3A_112 : i1 to i32
      %sign3A_114 = arith.subi %sign3A_110, %sign3A_113 : i32
      %sign3A_115 = arith.constant 0 : i32
      %sign3A_116 = arith.cmpi sgt, %jit3A_108, %sign3A_115 : i32
      %sign3A_117 = arith.extui %sign3A_116 : i1 to i32
      %sign3A_118 = arith.constant 0 : i32
      %sign3A_119 = arith.cmpi slt, %jit3A_108, %sign3A_118 : i32
      %sign3A_120 = arith.extui %sign3A_119 : i1 to i32
      %sign3A_121 = arith.subi %sign3A_117, %sign3A_120 : i32
      %ne3A = arith.cmpi ne, %sign3A_114, %sign3A_121 : i32
      %rem3A = arith.remsi %scan3A_106, %jit3A_108 : i32
      %ne3A_122 = arith.constant 0 : i32
      %ne3A_123 = arith.cmpi ne, %rem3A, %ne3A_122 : i32
      %and3A = arith.andi %ne3A, %ne3A_123 : i1
      %sub3A = arith.constant 1 : i32
      %sub3A_124 = arith.subi %div3A, %sub3A : i32
      %select_n3A_125 = arith.select %and3A, %sub3A_124, %div3A : i32
      %jit3A_126 = arith.constant 8 : i32
      %eq3A_127 = arith.constant 0 : i32
      %eq3A_128 = arith.cmpi eq, %jit3A_126, %eq3A_127 : i32
      %jit3A_129 = arith.constant 1 : i32
      %select_n3A_130 = arith.select %eq3A_128, %jit3A_129, %jit3A_126 : i32
      %rem3A_131 = arith.remsi %scan3A_106, %select_n3A_130 : i32
      %ne3A_132 = arith.constant 0 : i32
      %ne3A_133 = arith.cmpi ne, %rem3A_131, %ne3A_132 : i32
      %lt3A = arith.constant 0 : i32
      %lt3A_134 = arith.cmpi slt, %rem3A_131, %lt3A : i32
      %lt3A_135 = arith.constant 0 : i32
      %lt3A_136 = arith.cmpi slt, %select_n3A_130, %lt3A_135 : i32
      %ne3A_137 = arith.xori %lt3A_134, %lt3A_136 : i1
      %and3A_138 = arith.andi %ne3A_137, %ne3A_133 : i1
      %add3A_139 = arith.addi %rem3A_131, %select_n3A_130 : i32
      %select_n3A_140 = arith.select %and3A_138, %add3A_139, %rem3A_131 : i32
      %mul3A_141 = arith.constant 16 : i32
      %mul3A_142 = arith.muli %select_n3A_140, %mul3A_141 : i32
      %swap3A_143 = arith.index_cast %select_n3A_125 : i32 to index
      %swap3A_144 = arith.index_cast %mul3A_142 : i32 to index
      %swap3A_145 = tpu.vector_load %arg9[%swap3A_143, %swap3A_144] {strides = array<i32>} : memref<80x128xf32, #tpu.memory_space<vmem>>, vector<1x16xf32>,
      %swap3A_146 = vector.shape_cast %swap3A_145 : vector<1x16xf32> to vector<16xf32>
      %swap3A_147 = vector.shape_cast %broadcast_in_dim3A_11 : vector<16xf32> to vector<1x16xf32>
      tpu.vector_store %arg9[%swap3A_143, %swap3A_144], %swap3A_147 {strides = array<i32>} : memref<80x128xf32, #tpu.memory_space<vmem>>, vector<1x16xf32>,
      %scan3A_148 = arith.constant 0 : i32
      scf.yield %scan3A_148 : i32
    }
    %scan3A_18 = arith.constant 640 : i32
    %add3A_19 = arith.constant 0 : i32
    %add3A_20 = arith.addi %mul3A_2, %add3A_19 : i32
    "tpu.region"() ({
      %run_scoped3A = tpu.sem_alloc : memref<!tpu.dma_semaphore, #tpu.memory_space<semaphore_mem>>
      %dma_start3A_106 = arith.constant 0 : i32
      %dma_start3A_107 = tpu.memref_slice %arg10[%add3A_20, %dma_start3A_106] : memref<10240x128xf32, #tpu.memory_space<vmem_shared>> -> memref<80x128xf32, #tpu.memory_space<vmem_shared>>
      %dma_start3A_108 = arith.constant 0 : i32
      %dma_start3A_109 = tpu.memref_slice %arg10[%add3A_20, %dma_start3A_108] : memref<10240x128xf32, #tpu.memory_space<vmem_shared>> -> memref<80x128xf32, #tpu.memory_space<vmem_shared>>
      tpu.enqueue_dma source(%arg8 : memref<80x128xf32, #tpu.memory_space<vmem>>) target(%dma_start3A_109 : memref<80x128xf32, #tpu.memory_space<vmem_shared>>) target_semaphore(%run_scoped3A : memref<!tpu.dma_semaphore, #tpu.memory_space<semaphore_mem>>)
      %dma_wait3A_110 = arith.constant 0 : i32
      %dma_wait3A_111 = tpu.memref_slice %arg10[%add3A_20, %dma_wait3A_110] : memref<10240x128xf32, #tpu.memory_space<vmem_shared>> -> memref<80x128xf32, #tpu.memory_space<vmem_shared>>
      %dma_wait3A_112 = arith.constant 0 : i32
      %dma_wait3A_113 = tpu.memref_slice %arg10[%add3A_20, %dma_wait3A_112] : memref<10240x128xf32, #tpu.memory_space<vmem_shared>> -> memref<80x128xf32, #tpu.memory_space<vmem_shared>>
      tpu.wait_dma2 semaphore(%run_scoped3A : memref<!tpu.dma_semaphore, #tpu.memory_space<semaphore_mem>>) src(%arg8 : memref<80x128xf32, #tpu.memory_space<vmem>>) dst(%dma_wait3A_113 : memref<80x128xf32, #tpu.memory_space<vmem_shared>>)
      tpu.yield
    }) : () -> ()
    %add3A_21 = arith.constant 80 : i32
    %add3A_22 = arith.addi %mul3A_2, %add3A_21 : i32
    "tpu.region"() ({
      %run_scoped3A = tpu.sem_alloc : memref<!tpu.dma_semaphore, #tpu.memory_space<semaphore_mem>>
      %dma_start3A_106 = arith.constant 0 : i32
      %dma_start3A_107 = tpu.memref_slice %arg10[%add3A_22, %dma_start3A_106] : memref<10240x128xf32, #tpu.memory_space<vmem_shared>> -> memref<80x128xf32, #tpu.memory_space<vmem_shared>>
      %dma_start3A_108 = arith.constant 0 : i32
      %dma_start3A_109 = tpu.memref_slice %arg10[%add3A_22, %dma_start3A_108] : memref<10240x128xf32, #tpu.memory_space<vmem_shared>> -> memref<80x128xf32, #tpu.memory_space<vmem_shared>>
      tpu.enqueue_dma source(%arg8 : memref<80x128xf32, #tpu.memory_space<vmem>>) target(%dma_start3A_109 : memref<80x128xf32, #tpu.memory_space<vmem_shared>>) target_semaphore(%run_scoped3A : memref<!tpu.dma_semaphore, #tpu.memory_space<semaphore_mem>>)
      %dma_wait3A_110 = arith.constant 0 : i32
      %dma_wait3A_111 = tpu.memref_slice %arg10[%add3A_22, %dma_wait3A_110] : memref<10240x128xf32, #tpu.memory_space<vmem_shared>> -> memref<80x128xf32, #tpu.memory_space<vmem_shared>>
      %dma_wait3A_112 = arith.constant 0 : i32
      %dma_wait3A_113 = tpu.memref_slice %arg10[%add3A_22, %dma_wait3A_112] : memref<10240x128xf32, #tpu.memory_space<vmem_shared>> -> memref<80x128xf32, #tpu.memory_space<vmem_shared>>
      tpu.wait_dma2 semaphore(%run_scoped3A : memref<!tpu.dma_semaphore, #tpu.memory_space<semaphore_mem>>) src(%arg8 : memref<80x128xf32, #tpu.memory_space<vmem>>) dst(%dma_wait3A_113 : memref<80x128xf32, #tpu.memory_space<vmem_shared>>)
      tpu.yield
    }) : () -> ()
    %add3A_23 = arith.constant 160 : i32
    %add3A_24 = arith.addi %mul3A_2, %add3A_23 : i32
    "tpu.region"() ({
      %run_scoped3A = tpu.sem_alloc : memref<!tpu.dma_semaphore, #tpu.memory_space<semaphore_mem>>
      %dma_start3A_106 = arith.constant 0 : i32
      %dma_start3A_107 = tpu.memref_slice %arg10[%add3A_24, %dma_start3A_106] : memref<10240x128xf32, #tpu.memory_space<vmem_shared>> -> memref<80x128xf32, #tpu.memory_space<vmem_shared>>
      %dma_start3A_108 = arith.constant 0 : i32
      %dma_start3A_109 = tpu.memref_slice %arg10[%add3A_24, %dma_start3A_108] : memref<10240x128xf32, #tpu.memory_space<vmem_shared>> -> memref<80x128xf32, #tpu.memory_space<vmem_shared>>
      tpu.enqueue_dma source(%arg8 : memref<80x128xf32, #tpu.memory_space<vmem>>) target(%dma_start3A_109 : memref<80x128xf32, #tpu.memory_space<vmem_shared>>) target_semaphore(%run_scoped3A : memref<!tpu.dma_semaphore, #tpu.memory_space<semaphore_mem>>)
      %dma_wait3A_110 = arith.constant 0 : i32
      %dma_wait3A_111 = tpu.memref_slice %arg10[%add3A_24, %dma_wait3A_110] : memref<10240x128xf32, #tpu.memory_space<vmem_shared>> -> memref<80x128xf32, #tpu.memory_space<vmem_shared>>
      %dma_wait3A_112 = arith.constant 0 : i32
      %dma_wait3A_113 = tpu.memref_slice %arg10[%add3A_24, %dma_wait3A_112] : memref<10240x128xf32, #tpu.memory_space<vmem_shared>> -> memref<80x128xf32, #tpu.memory_space<vmem_shared>>
      tpu.wait_dma2 semaphore(%run_scoped3A : memref<!tpu.dma_semaphore, #tpu.memory_space<semaphore_mem>>) src(%arg8 : memref<80x128xf32, #tpu.memory_space<vmem>>) dst(%dma_wait3A_113 : memref<80x128xf32, #tpu.memory_space<vmem_shared>>)
      tpu.yield
    }) : () -> ()
    %add3A_25 = arith.constant 240 : i32
    %add3A_26 = arith.addi %mul3A_2, %add3A_25 : i32
    "tpu.region"() ({
      %run_scoped3A = tpu.sem_alloc : memref<!tpu.dma_semaphore, #tpu.memory_space<semaphore_mem>>
      %dma_start3A_106 = arith.constant 0 : i32
      %dma_start3A_107 = tpu.memref_slice %arg10[%add3A_26, %dma_start3A_106] : memref<10240x128xf32, #tpu.memory_space<vmem_shared>> -> memref<80x128xf32, #tpu.memory_space<vmem_shared>>
      %dma_start3A_108 = arith.constant 0 : i32
      %dma_start3A_109 = tpu.memref_slice %arg10[%add3A_26, %dma_start3A_108] : memref<10240x128xf32, #tpu.memory_space<vmem_shared>> -> memref<80x128xf32, #tpu.memory_space<vmem_shared>>
      tpu.enqueue_dma source(%arg8 : memref<80x128xf32, #tpu.memory_space<vmem>>) target(%dma_start3A_109 : memref<80x128xf32, #tpu.memory_space<vmem_shared>>) target_semaphore(%run_scoped3A : memref<!tpu.dma_semaphore, #tpu.memory_space<semaphore_mem>>)
      %dma_wait3A_110 = arith.constant 0 : i32
      %dma_wait3A_111 = tpu.memref_slice %arg10[%add3A_26, %dma_wait3A_110] : memref<10240x128xf32, #tpu.memory_space<vmem_shared>> -> memref<80x128xf32, #tpu.memory_space<vmem_shared>>
      %dma_wait3A_112 = arith.constant 0 : i32
      %dma_wait3A_113 = tpu.memref_slice %arg10[%add3A_26, %dma_wait3A_112] : memref<10240x128xf32, #tpu.memory_space<vmem_shared>> -> memref<80x128xf32, #tpu.memory_space<vmem_shared>>
      tpu.wait_dma2 semaphore(%run_scoped3A : memref<!tpu.dma_semaphore, #tpu.memory_space<semaphore_mem>>) src(%arg8 : memref<80x128xf32, #tpu.memory_space<vmem>>) dst(%dma_wait3A_113 : memref<80x128xf32, #tpu.memory_space<vmem_shared>>)
      tpu.yield
    }) : () -> ()
    %add3A_27 = arith.constant 320 : i32
    %add3A_28 = arith.addi %mul3A_2, %add3A_27 : i32
    "tpu.region"() ({
      %run_scoped3A = tpu.sem_alloc : memref<!tpu.dma_semaphore, #tpu.memory_space<semaphore_mem>>
      %dma_start3A_106 = arith.constant 0 : i32
      %dma_start3A_107 = tpu.memref_slice %arg10[%add3A_28, %dma_start3A_106] : memref<10240x128xf32, #tpu.memory_space<vmem_shared>> -> memref<80x128xf32, #tpu.memory_space<vmem_shared>>
      %dma_start3A_108 = arith.constant 0 : i32
      %dma_start3A_109 = tpu.memref_slice %arg10[%add3A_28, %dma_start3A_108] : memref<10240x128xf32, #tpu.memory_space<vmem_shared>> -> memref<80x128xf32, #tpu.memory_space<vmem_shared>>
      tpu.enqueue_dma source(%arg8 : memref<80x128xf32, #tpu.memory_space<vmem>>) target(%dma_start3A_109 : memref<80x128xf32, #tpu.memory_space<vmem_shared>>) target_semaphore(%run_scoped3A : memref<!tpu.dma_semaphore, #tpu.memory_space<semaphore_mem>>)
      %dma_wait3A_110 = arith.constant 0 : i32
      %dma_wait3A_111 = tpu.memref_slice %arg10[%add3A_28, %dma_wait3A_110] : memref<10240x128xf32, #tpu.memory_space<vmem_shared>> -> memref<80x128xf32, #tpu.memory_space<vmem_shared>>
      %dma_wait3A_112 = arith.constant 0 : i32
      %dma_wait3A_113 = tpu.memref_slice %arg10[%add3A_28, %dma_wait3A_112] : memref<10240x128xf32, #tpu.memory_space<vmem_shared>> -> memref<80x128xf32, #tpu.memory_space<vmem_shared>>
      tpu.wait_dma2 semaphore(%run_scoped3A : memref<!tpu.dma_semaphore, #tpu.memory_space<semaphore_mem>>) src(%arg8 : memref<80x128xf32, #tpu.memory_space<vmem>>) dst(%dma_wait3A_113 : memref<80x128xf32, #tpu.memory_space<vmem_shared>>)
      tpu.yield
    }) : () -> ()
    %add3A_29 = arith.constant 400 : i32
    %add3A_30 = arith.addi %mul3A_2, %add3A_29 : i32
    "tpu.region"() ({
      %run_scoped3A = tpu.sem_alloc : memref<!tpu.dma_semaphore, #tpu.memory_space<semaphore_mem>>
      %dma_start3A_106 = arith.constant 0 : i32
      %dma_start3A_107 = tpu.memref_slice %arg10[%add3A_30, %dma_start3A_106] : memref<10240x128xf32, #tpu.memory_space<vmem_shared>> -> memref<80x128xf32, #tpu.memory_space<vmem_shared>>
      %dma_start3A_108 = arith.constant 0 : i32
      %dma_start3A_109 = tpu.memref_slice %arg10[%add3A_30, %dma_start3A_108] : memref<10240x128xf32, #tpu.memory_space<vmem_shared>> -> memref<80x128xf32, #tpu.memory_space<vmem_shared>>
      tpu.enqueue_dma source(%arg8 : memref<80x128xf32, #tpu.memory_space<vmem>>) target(%dma_start3A_109 : memref<80x128xf32, #tpu.memory_space<vmem_shared>>) target_semaphore(%run_scoped3A : memref<!tpu.dma_semaphore, #tpu.memory_space<semaphore_mem>>)
      %dma_wait3A_110 = arith.constant 0 : i32
      %dma_wait3A_111 = tpu.memref_slice %arg10[%add3A_30, %dma_wait3A_110] : memref<10240x128xf32, #tpu.memory_space<vmem_shared>> -> memref<80x128xf32, #tpu.memory_space<vmem_shared>>
      %dma_wait3A_112 = arith.constant 0 : i32
      %dma_wait3A_113 = tpu.memref_slice %arg10[%add3A_30, %dma_wait3A_112] : memref<10240x128xf32, #tpu.memory_space<vmem_shared>> -> memref<80x128xf32, #tpu.memory_space<vmem_shared>>
      tpu.wait_dma2 semaphore(%run_scoped3A : memref<!tpu.dma_semaphore, #tpu.memory_space<semaphore_mem>>) src(%arg8 : memref<80x128xf32, #tpu.memory_space<vmem>>) dst(%dma_wait3A_113 : memref<80x128xf32, #tpu.memory_space<vmem_shared>>)
      tpu.yield
    }) : () -> ()
    %add3A_31 = arith.constant 480 : i32
    %add3A_32 = arith.addi %mul3A_2, %add3A_31 : i32
    "tpu.region"() ({
      %run_scoped3A = tpu.sem_alloc : memref<!tpu.dma_semaphore, #tpu.memory_space<semaphore_mem>>
      %dma_start3A_106 = arith.constant 0 : i32
      %dma_start3A_107 = tpu.memref_slice %arg10[%add3A_32, %dma_start3A_106] : memref<10240x128xf32, #tpu.memory_space<vmem_shared>> -> memref<80x128xf32, #tpu.memory_space<vmem_shared>>
      %dma_start3A_108 = arith.constant 0 : i32
      %dma_start3A_109 = tpu.memref_slice %arg10[%add3A_32, %dma_start3A_108] : memref<10240x128xf32, #tpu.memory_space<vmem_shared>> -> memref<80x128xf32, #tpu.memory_space<vmem_shared>>
      tpu.enqueue_dma source(%arg8 : memref<80x128xf32, #tpu.memory_space<vmem>>) target(%dma_start3A_109 : memref<80x128xf32, #tpu.memory_space<vmem_shared>>) target_semaphore(%run_scoped3A : memref<!tpu.dma_semaphore, #tpu.memory_space<semaphore_mem>>)
      %dma_wait3A_110 = arith.constant 0 : i32
      %dma_wait3A_111 = tpu.memref_slice %arg10[%add3A_32, %dma_wait3A_110] : memref<10240x128xf32, #tpu.memory_space<vmem_shared>> -> memref<80x128xf32, #tpu.memory_space<vmem_shared>>
      %dma_wait3A_112 = arith.constant 0 : i32
      %dma_wait3A_113 = tpu.memref_slice %arg10[%add3A_32, %dma_wait3A_112] : memref<10240x128xf32, #tpu.memory_space<vmem_shared>> -> memref<80x128xf32, #tpu.memory_space<vmem_shared>>
      tpu.wait_dma2 semaphore(%run_scoped3A : memref<!tpu.dma_semaphore, #tpu.memory_space<semaphore_mem>>) src(%arg8 : memref<80x128xf32, #tpu.memory_space<vmem>>) dst(%dma_wait3A_113 : memref<80x128xf32, #tpu.memory_space<vmem_shared>>)
      tpu.yield
    }) : () -> ()
    %add3A_33 = arith.constant 560 : i32
    %add3A_34 = arith.addi %mul3A_2, %add3A_33 : i32
    "tpu.region"() ({
      %run_scoped3A = tpu.sem_alloc : memref<!tpu.dma_semaphore, #tpu.memory_space<semaphore_mem>>
      %dma_start3A_106 = arith.constant 0 : i32
      %dma_start3A_107 = tpu.memref_slice %arg10[%add3A_34, %dma_start3A_106] : memref<10240x128xf32, #tpu.memory_space<vmem_shared>> -> memref<80x128xf32, #tpu.memory_space<vmem_shared>>
      %dma_start3A_108 = arith.constant 0 : i32
      %dma_start3A_109 = tpu.memref_slice %arg10[%add3A_34, %dma_start3A_108] : memref<10240x128xf32, #tpu.memory_space<vmem_shared>> -> memref<80x128xf32, #tpu.memory_space<vmem_shared>>
      tpu.enqueue_dma source(%arg8 : memref<80x128xf32, #tpu.memory_space<vmem>>) target(%dma_start3A_109 : memref<80x128xf32, #tpu.memory_space<vmem_shared>>) target_semaphore(%run_scoped3A : memref<!tpu.dma_semaphore, #tpu.memory_space<semaphore_mem>>)
      %dma_wait3A_110 = arith.constant 0 : i32
      %dma_wait3A_111 = tpu.memref_slice %arg10[%add3A_34, %dma_wait3A_110] : memref<10240x128xf32, #tpu.memory_space<vmem_shared>> -> memref<80x128xf32, #tpu.memory_space<vmem_shared>>
      %dma_wait3A_112 = arith.constant 0 : i32
      %dma_wait3A_113 = tpu.memref_slice %arg10[%add3A_34, %dma_wait3A_112] : memref<10240x128xf32, #tpu.memory_space<vmem_shared>> -> memref<80x128xf32, #tpu.memory_space<vmem_shared>>
      tpu.wait_dma2 semaphore(%run_scoped3A : memref<!tpu.dma_semaphore, #tpu.memory_space<semaphore_mem>>) src(%arg8 : memref<80x128xf32, #tpu.memory_space<vmem>>) dst(%dma_wait3A_113 : memref<80x128xf32, #tpu.memory_space<vmem_shared>>)
      tpu.yield
    }) : () -> ()
    %barrier3A = arith.constant 0 : index
    tpu.barrier barrier_id(%barrier3A)
    "tpu.region"() ({
      %run_scoped3A = tpu.sem_alloc : memref<!tpu.dma_semaphore, #tpu.memory_space<semaphore_mem>>
      %dma_start3A_106 = arith.constant 0 : i32
      %dma_start3A_107 = arith.constant 0 : i32
      %dma_start3A_108 = tpu.memref_slice %arg6[%dma_start3A_106, %dma_start3A_107] : memref<127x80xi32, #tpu.memory_space<vmem>> -> memref<126x80xi32, #tpu.memory_space<vmem>>
      %dma_start3A_109 = arith.constant 0 : i32
      %dma_start3A_110 = arith.constant 0 : i32
      %dma_start3A_111 = tpu.memref_slice %arg3[%add3A, %dma_start3A_109, %dma_start3A_110] : memref<32x126x80xi32, #tpu.memory_space<hbm>> -> memref<1x126x80xi32, #tpu.memory_space<hbm>>
      %dma_start3A_112 = tpu.memref_squeeze %dma_start3A_111 : memref<1x126x80xi32, #tpu.memory_space<hbm>> -> memref<126x80xi32, #tpu.memory_space<hbm>>
      %dma_start3A_113 = arith.constant 0 : i32
      %dma_start3A_114 = arith.constant 0 : i32
      %dma_start3A_115 = tpu.memref_slice %arg6[%dma_start3A_113, %dma_start3A_114] : memref<127x80xi32, #tpu.memory_space<vmem>> -> memref<126x80xi32, #tpu.memory_space<vmem>>
      %dma_start3A_116 = arith.constant 0 : i32
      %dma_start3A_117 = arith.constant 0 : i32
      %dma_start3A_118 = tpu.memref_slice %arg3[%add3A, %dma_start3A_116, %dma_start3A_117] : memref<32x126x80xi32, #tpu.memory_space<hbm>> -> memref<1x126x80xi32, #tpu.memory_space<hbm>>
      %dma_start3A_119 = tpu.memref_squeeze %dma_start3A_118 : memref<1x126x80xi32, #tpu.memory_space<hbm>> -> memref<126x80xi32, #tpu.memory_space<hbm>>
      tpu.enqueue_dma source(%dma_start3A_119 : memref<126x80xi32, #tpu.memory_space<hbm>>) target(%dma_start3A_115 : memref<126x80xi32, #tpu.memory_space<vmem>>) target_semaphore(%run_scoped3A : memref<!tpu.dma_semaphore, #tpu.memory_space<semaphore_mem>>)
      %dma_wait3A_120 = arith.constant 0 : i32
      %dma_wait3A_121 = arith.constant 0 : i32
      %dma_wait3A_122 = tpu.memref_slice %arg6[%dma_wait3A_120, %dma_wait3A_121] : memref<127x80xi32, #tpu.memory_space<vmem>> -> memref<126x80xi32, #tpu.memory_space<vmem>>
      %dma_wait3A_123 = arith.constant 0 : i32
      %dma_wait3A_124 = arith.constant 0 : i32
      %dma_wait3A_125 = tpu.memref_slice %arg3[%add3A, %dma_wait3A_123, %dma_wait3A_124] : memref<32x126x80xi32, #tpu.memory_space<hbm>> -> memref<1x126x80xi32, #tpu.memory_space<hbm>>
      %dma_wait3A_126 = tpu.memref_squeeze %dma_wait3A_125 : memref<1x126x80xi32, #tpu.memory_space<hbm>> -> memref<126x80xi32, #tpu.memory_space<hbm>>
      %dma_wait3A_127 = arith.constant 0 : i32
      %dma_wait3A_128 = arith.constant 0 : i32
      %dma_wait3A_129 = tpu.memref_slice %arg6[%dma_wait3A_127, %dma_wait3A_128] : memref<127x80xi32, #tpu.memory_space<vmem>> -> memref<126x80xi32, #tpu.memory_space<vmem>>
      %dma_wait3A_130 = arith.constant 0 : i32
      %dma_wait3A_131 = arith.constant 0 : i32
      %dma_wait3A_132 = tpu.memref_slice %arg3[%add3A, %dma_wait3A_130, %dma_wait3A_131] : memref<32x126x80xi32, #tpu.memory_space<hbm>> -> memref<1x126x80xi32, #tpu.memory_space<hbm>>
      %dma_wait3A_133 = tpu.memref_squeeze %dma_wait3A_132 : memref<1x126x80xi32, #tpu.memory_space<hbm>> -> memref<126x80xi32, #tpu.memory_space<hbm>>
      tpu.wait_dma2 semaphore(%run_scoped3A : memref<!tpu.dma_semaphore, #tpu.memory_space<semaphore_mem>>) src(%dma_wait3A_133 : memref<126x80xi32, #tpu.memory_space<hbm>>) dst(%dma_wait3A_129 : memref<126x80xi32, #tpu.memory_space<vmem>>)
      tpu.yield
    }) : () -> ()
    %broadcast_in_dim3A_35 = arith.constant 0 : i32
    %broadcast_in_dim3A_36 = vector.broadcast %broadcast_in_dim3A_35 : i32 to vector<16xi32>
    %swap3A = arith.constant 126 : i32
    %swap3A_37 = arith.index_cast %swap3A : i32 to index
    %swap3A_38 = arith.constant 0 : index
    %swap3A_39 = tpu.vector_load %arg6[%swap3A_37, %swap3A_38] {strides = array<i32>} : memref<127x80xi32, #tpu.memory_space<vmem>>, vector<1x16xi32>,
    %swap3A_40 = vector.shape_cast %swap3A_39 : vector<1x16xi32> to vector<16xi32>
    %swap3A_41 = vector.shape_cast %broadcast_in_dim3A_36 : vector<16xi32> to vector<1x16xi32>
    tpu.vector_store %arg6[%swap3A_37, %swap3A_38], %swap3A_41 {strides = array<i32>} : memref<127x80xi32, #tpu.memory_space<vmem>>, vector<1x16xi32>,
    %swap3A_42 = arith.constant 126 : i32
    %swap3A_43 = arith.index_cast %swap3A_42 : i32 to index
    %swap3A_44 = arith.constant 16 : index
    %swap3A_45 = tpu.vector_load %arg6[%swap3A_43, %swap3A_44] {strides = array<i32>} : memref<127x80xi32, #tpu.memory_space<vmem>>, vector<1x16xi32>,
    %swap3A_46 = vector.shape_cast %swap3A_45 : vector<1x16xi32> to vector<16xi32>
    %swap3A_47 = vector.shape_cast %broadcast_in_dim3A_36 : vector<16xi32> to vector<1x16xi32>
    tpu.vector_store %arg6[%swap3A_43, %swap3A_44], %swap3A_47 {strides = array<i32>} : memref<127x80xi32, #tpu.memory_space<vmem>>, vector<1x16xi32>,
    %swap3A_48 = arith.constant 126 : i32
    %swap3A_49 = arith.index_cast %swap3A_48 : i32 to index
    %swap3A_50 = arith.constant 32 : index
    %swap3A_51 = tpu.vector_load %arg6[%swap3A_49, %swap3A_50] {strides = array<i32>} : memref<127x80xi32, #tpu.memory_space<vmem>>, vector<1x16xi32>,
    %swap3A_52 = vector.shape_cast %swap3A_51 : vector<1x16xi32> to vector<16xi32>
    %swap3A_53 = vector.shape_cast %broadcast_in_dim3A_36 : vector<16xi32> to vector<1x16xi32>
    tpu.vector_store %arg6[%swap3A_49, %swap3A_50], %swap3A_53 {strides = array<i32>} : memref<127x80xi32, #tpu.memory_space<vmem>>, vector<1x16xi32>,
    %swap3A_54 = arith.constant 126 : i32
    %swap3A_55 = arith.index_cast %swap3A_54 : i32 to index
    %swap3A_56 = arith.constant 48 : index
    %swap3A_57 = tpu.vector_load %arg6[%swap3A_55, %swap3A_56] {strides = array<i32>} : memref<127x80xi32, #tpu.memory_space<vmem>>, vector<1x16xi32>,
    %swap3A_58 = vector.shape_cast %swap3A_57 : vector<1x16xi32> to vector<16xi32>
    %swap3A_59 = vector.shape_cast %broadcast_in_dim3A_36 : vector<16xi32> to vector<1x16xi32>
    tpu.vector_store %arg6[%swap3A_55, %swap3A_56], %swap3A_59 {strides = array<i32>} : memref<127x80xi32, #tpu.memory_space<vmem>>, vector<1x16xi32>,
    %swap3A_60 = arith.constant 126 : i32
    %swap3A_61 = arith.index_cast %swap3A_60 : i32 to index
    %swap3A_62 = arith.constant 64 : index
    %swap3A_63 = tpu.vector_load %arg6[%swap3A_61, %swap3A_62] {strides = array<i32>} : memref<127x80xi32, #tpu.memory_space<vmem>>, vector<1x16xi32>,
    %swap3A_64 = vector.shape_cast %swap3A_63 : vector<1x16xi32> to vector<16xi32>
    %swap3A_65 = vector.shape_cast %broadcast_in_dim3A_36 : vector<16xi32> to vector<1x16xi32>
    tpu.vector_store %arg6[%swap3A_61, %swap3A_62], %swap3A_65 {strides = array<i32>} : memref<127x80xi32, #tpu.memory_space<vmem>>, vector<1x16xi32>,
    "tpu.region"() ({
      %run_scoped3A = tpu.sem_alloc : memref<!tpu.dma_semaphore, #tpu.memory_space<semaphore_mem>>
      %dma_start3A_106 = arith.constant 0 : i32
      %dma_start3A_107 = arith.constant 0 : i32
      %dma_start3A_108 = tpu.memref_slice %arg4[%add3A, %dma_start3A_106, %dma_start3A_107] : memref<32x126x80xi32, #tpu.memory_space<hbm>> -> memref<1x126x80xi32, #tpu.memory_space<hbm>>
      %dma_start3A_109 = tpu.memref_squeeze %dma_start3A_108 : memref<1x126x80xi32, #tpu.memory_space<hbm>> -> memref<126x80xi32, #tpu.memory_space<hbm>>
      %dma_start3A_110 = arith.constant 0 : i32
      %dma_start3A_111 = arith.constant 0 : i32
      %dma_start3A_112 = tpu.memref_slice %arg4[%add3A, %dma_start3A_110, %dma_start3A_111] : memref<32x126x80xi32, #tpu.memory_space<hbm>> -> memref<1x126x80xi32, #tpu.memory_space<hbm>>
      %dma_start3A_113 = tpu.memref_squeeze %dma_start3A_112 : memref<1x126x80xi32, #tpu.memory_space<hbm>> -> memref<126x80xi32, #tpu.memory_space<hbm>>
      tpu.enqueue_dma source(%dma_start3A_113 : memref<126x80xi32, #tpu.memory_space<hbm>>) target(%arg7 : memref<126x80xi32, #tpu.memory_space<vmem>>) target_semaphore(%run_scoped3A : memref<!tpu.dma_semaphore, #tpu.memory_space<semaphore_mem>>)
      %dma_wait3A_114 = arith.constant 0 : i32
      %dma_wait3A_115 = arith.constant 0 : i32
      %dma_wait3A_116 = tpu.memref_slice %arg4[%add3A, %dma_wait3A_114, %dma_wait3A_115] : memref<32x126x80xi32, #tpu.memory_space<hbm>> -> memref<1x126x80xi32, #tpu.memory_space<hbm>>
      %dma_wait3A_117 = tpu.memref_squeeze %dma_wait3A_116 : memref<1x126x80xi32, #tpu.memory_space<hbm>> -> memref<126x80xi32, #tpu.memory_space<hbm>>
      %dma_wait3A_118 = arith.constant 0 : i32
      %dma_wait3A_119 = arith.constant 0 : i32
      %dma_wait3A_120 = tpu.memref_slice %arg4[%add3A, %dma_wait3A_118, %dma_wait3A_119] : memref<32x126x80xi32, #tpu.memory_space<hbm>> -> memref<1x126x80xi32, #tpu.memory_space<hbm>>
      %dma_wait3A_121 = tpu.memref_squeeze %dma_wait3A_120 : memref<1x126x80xi32, #tpu.memory_space<hbm>> -> memref<126x80xi32, #tpu.memory_space<hbm>>
      tpu.wait_dma2 semaphore(%run_scoped3A : memref<!tpu.dma_semaphore, #tpu.memory_space<semaphore_mem>>) src(%dma_wait3A_121 : memref<126x80xi32, #tpu.memory_space<hbm>>) dst(%arg7 : memref<126x80xi32, #tpu.memory_space<vmem>>)
      tpu.yield
    }) : () -> ()
    %dma_start3A = arith.constant 0 : i32
    %dma_start3A_66 = arith.constant 0 : i32
    %dma_start3A_67 = tpu.memref_slice %arg7[%dma_start3A, %dma_start3A_66] : memref<126x80xi32, #tpu.memory_space<vmem>> -> memref<1x80xi32, #tpu.memory_space<vmem>>
    %dma_start3A_68 = tpu.memref_squeeze %dma_start3A_67 : memref<1x80xi32, #tpu.memory_space<vmem>> -> memref<80xi32, #tpu.memory_space<vmem>>
    %dma_start3A_69 = arith.constant 0 : i32
    %dma_start3A_70 = arith.constant 0 : i32
    %dma_start3A_71 = tpu.memref_slice %arg10[%dma_start3A_69, %dma_start3A_70] : memref<10240x128xf32, #tpu.memory_space<vmem_shared>> -> memref<10240x128xf32, #tpu.memory_space<vmem_shared>>
    tpu.enqueue_indirect_dma source(%arg9 : memref<80x128xf32, #tpu.memory_space<vmem>>) target(%dma_start3A_71 : memref<10240x128xf32, #tpu.memory_space<vmem_shared>>) offsets(%dma_start3A_68 : memref<80xi32, #tpu.memory_space<vmem>>) semaphore(%arg14 : memref<!tpu.dma_semaphore, #tpu.memory_space<semaphore_mem>>) {add = true}
    %dma_start3A_72 = arith.constant 0 : i32
    %dma_start3A_73 = arith.constant 0 : i32
    %dma_start3A_74 = tpu.memref_slice %arg6[%dma_start3A_72, %dma_start3A_73] : memref<127x80xi32, #tpu.memory_space<vmem>> -> memref<1x80xi32, #tpu.memory_space<vmem>>
    %dma_start3A_75 = tpu.memref_squeeze %dma_start3A_74 : memref<1x80xi32, #tpu.memory_space<vmem>> -> memref<80xi32, #tpu.memory_space<vmem>>
    %dma_start3A_76 = arith.constant 0 : i32
    %dma_start3A_77 = arith.constant 0 : i32
    %dma_start3A_78 = tpu.memref_slice %arg2[%dma_start3A_76, %dma_start3A_77] : memref<10000x128xf32, #tpu.memory_space<hbm>> -> memref<10000x128xf32, #tpu.memory_space<hbm>>
    tpu.enqueue_indirect_dma source(%dma_start3A_78 : memref<10000x128xf32, #tpu.memory_space<hbm>>) target(%arg8 : memref<80x128xf32, #tpu.memory_space<vmem>>) offsets(%dma_start3A_75 : memref<80xi32, #tpu.memory_space<vmem>>) semaphore(%arg11 : memref<!tpu.dma_semaphore, #tpu.memory_space<semaphore_mem>>)
    %eq3A = arith.constant 0 : i32
    %eq3A_79 = arith.cmpi eq, %arg0, %eq3A : i32
    %jit3A = arith.constant 63 : i32
    %jit3A_80 = arith.constant 62 : i32
    %select_n3A = arith.select %eq3A_79, %jit3A, %jit3A_80 : i32
    %while3A = arith.constant 0 : i32
    %while3A_81 = arith.constant 0 : i32
    %while3A_82 = arith.subi %select_n3A, %while3A : i32
    %while3A_83 = arith.addi %while3A, %while3A_82 : i32
    %while3A_84 = arith.constant 1 : i32
    %while3A_85 = arith.divsi %while3A_82, %while3A_84 : i32
    %while3A_86 = arith.muli %while3A_85, %while3A_84 : i32
    %while3A_87 = arith.addi %while3A, %while3A_86 : i32
    %while3A_88 = arith.constant 1 : i32
    %while3A_89 = scf.for %while3A_106 = %while3A to %while3A_87 step %while3A_88 iter_args(%while3A_107 = %while3A_81) -> (i32)  : i32 {
      %mul3A_108 = arith.constant 2 : i32
      %mul3A_109 = arith.muli %mul3A_108, %while3A_106 : i32
      %dma_wait3A_110 = arith.constant 0 : i32
      %dma_wait3A_111 = arith.constant 0 : i32
      %dma_wait3A_112 = tpu.memref_slice %arg7[%dma_wait3A_110, %dma_wait3A_111] : memref<126x80xi32, #tpu.memory_space<vmem>> -> memref<1x80xi32, #tpu.memory_space<vmem>>
      %dma_wait3A_113 = tpu.memref_squeeze %dma_wait3A_112 : memref<1x80xi32, #tpu.memory_space<vmem>> -> memref<80xi32, #tpu.memory_space<vmem>>
      %dma_wait3A_114 = arith.constant 0 : i32
      %dma_wait3A_115 = arith.constant 0 : i32
      %dma_wait3A_116 = tpu.memref_slice %arg10[%dma_wait3A_114, %dma_wait3A_115] : memref<10240x128xf32, #tpu.memory_space<vmem_shared>> -> memref<10240x128xf32, #tpu.memory_space<vmem_shared>>
      tpu.wait_indirect_dma semaphore(%arg14 : memref<!tpu.dma_semaphore, #tpu.memory_space<semaphore_mem>>) src(%arg9 : memref<80x128xf32, #tpu.memory_space<vmem>>) dst(%dma_wait3A_116 : memref<10240x128xf32, #tpu.memory_space<vmem_shared>>)
      %add3A_117 = arith.constant 1 : i32
      %add3A_118 = arith.addi %mul3A_109, %add3A_117 : i32
      %dma_start3A_119 = arith.constant 0 : i32
      %dma_start3A_120 = tpu.memref_slice %arg6[%add3A_118, %dma_start3A_119] : memref<127x80xi32, #tpu.memory_space<vmem>> -> memref<1x80xi32, #tpu.memory_space<vmem>>
      %dma_start3A_121 = tpu.memref_squeeze %dma_start3A_120 : memref<1x80xi32, #tpu.memory_space<vmem>> -> memref<80xi32, #tpu.memory_space<vmem>>
      %dma_start3A_122 = arith.constant 0 : i32
      %dma_start3A_123 = arith.constant 0 : i32
      %dma_start3A_124 = tpu.memref_slice %arg2[%dma_start3A_122, %dma_start3A_123] : memref<10000x128xf32, #tpu.memory_space<hbm>> -> memref<10000x128xf32, #tpu.memory_space<hbm>>
      tpu.enqueue_indirect_dma source(%dma_start3A_124 : memref<10000x128xf32, #tpu.memory_space<hbm>>) target(%arg9 : memref<80x128xf32, #tpu.memory_space<vmem>>) offsets(%dma_start3A_121 : memref<80xi32, #tpu.memory_space<vmem>>) semaphore(%arg12 : memref<!tpu.dma_semaphore, #tpu.memory_space<semaphore_mem>>)
      %dma_wait3A_125 = arith.constant 0 : i32
      %dma_wait3A_126 = arith.constant 0 : i32
      %dma_wait3A_127 = tpu.memref_slice %arg6[%dma_wait3A_125, %dma_wait3A_126] : memref<127x80xi32, #tpu.memory_space<vmem>> -> memref<1x80xi32, #tpu.memory_space<vmem>>
      %dma_wait3A_128 = tpu.memref_squeeze %dma_wait3A_127 : memref<1x80xi32, #tpu.memory_space<vmem>> -> memref<80xi32, #tpu.memory_space<vmem>>
      %dma_wait3A_129 = arith.constant 0 : i32
      %dma_wait3A_130 = arith.constant 0 : i32
      %dma_wait3A_131 = tpu.memref_slice %arg2[%dma_wait3A_129, %dma_wait3A_130] : memref<10000x128xf32, #tpu.memory_space<hbm>> -> memref<10000x128xf32, #tpu.memory_space<hbm>>
      tpu.wait_indirect_dma semaphore(%arg11 : memref<!tpu.dma_semaphore, #tpu.memory_space<semaphore_mem>>) src(%dma_wait3A_131 : memref<10000x128xf32, #tpu.memory_space<hbm>>) dst(%arg8 : memref<80x128xf32, #tpu.memory_space<vmem>>)
      %dma_start3A_132 = arith.constant 0 : i32
      %dma_start3A_133 = tpu.memref_slice %arg7[%mul3A_109, %dma_start3A_132] : memref<126x80xi32, #tpu.memory_space<vmem>> -> memref<1x80xi32, #tpu.memory_space<vmem>>
      %dma_start3A_134 = tpu.memref_squeeze %dma_start3A_133 : memref<1x80xi32, #tpu.memory_space<vmem>> -> memref<80xi32, #tpu.memory_space<vmem>>
      %dma_start3A_135 = arith.constant 0 : i32
      %dma_start3A_136 = arith.constant 0 : i32
      %dma_start3A_137 = tpu.memref_slice %arg10[%dma_start3A_135, %dma_start3A_136] : memref<10240x128xf32, #tpu.memory_space<vmem_shared>> -> memref<10240x128xf32, #tpu.memory_space<vmem_shared>>
      tpu.enqueue_indirect_dma source(%arg8 : memref<80x128xf32, #tpu.memory_space<vmem>>) target(%dma_start3A_137 : memref<10240x128xf32, #tpu.memory_space<vmem_shared>>) offsets(%dma_start3A_134 : memref<80xi32, #tpu.memory_space<vmem>>) semaphore(%arg13 : memref<!tpu.dma_semaphore, #tpu.memory_space<semaphore_mem>>) {add = true}
      %dma_wait3A_138 = arith.constant 0 : i32
      %dma_wait3A_139 = arith.constant 0 : i32
      %dma_wait3A_140 = tpu.memref_slice %arg7[%dma_wait3A_138, %dma_wait3A_139] : memref<126x80xi32, #tpu.memory_space<vmem>> -> memref<1x80xi32, #tpu.memory_space<vmem>>
      %dma_wait3A_141 = tpu.memref_squeeze %dma_wait3A_140 : memref<1x80xi32, #tpu.memory_space<vmem>> -> memref<80xi32, #tpu.memory_space<vmem>>
      %dma_wait3A_142 = arith.constant 0 : i32
      %dma_wait3A_143 = arith.constant 0 : i32
      %dma_wait3A_144 = tpu.memref_slice %arg10[%dma_wait3A_142, %dma_wait3A_143] : memref<10240x128xf32, #tpu.memory_space<vmem_shared>> -> memref<10240x128xf32, #tpu.memory_space<vmem_shared>>
      tpu.wait_indirect_dma semaphore(%arg13 : memref<!tpu.dma_semaphore, #tpu.memory_space<semaphore_mem>>) src(%arg8 : memref<80x128xf32, #tpu.memory_space<vmem>>) dst(%dma_wait3A_144 : memref<10240x128xf32, #tpu.memory_space<vmem_shared>>)
      %add3A_145 = arith.constant 2 : i32
      %add3A_146 = arith.addi %mul3A_109, %add3A_145 : i32
      %dma_start3A_147 = arith.constant 0 : i32
      %dma_start3A_148 = tpu.memref_slice %arg6[%add3A_146, %dma_start3A_147] : memref<127x80xi32, #tpu.memory_space<vmem>> -> memref<1x80xi32, #tpu.memory_space<vmem>>
      %dma_start3A_149 = tpu.memref_squeeze %dma_start3A_148 : memref<1x80xi32, #tpu.memory_space<vmem>> -> memref<80xi32, #tpu.memory_space<vmem>>
      %dma_start3A_150 = arith.constant 0 : i32
      %dma_start3A_151 = arith.constant 0 : i32
      %dma_start3A_152 = tpu.memref_slice %arg2[%dma_start3A_150, %dma_start3A_151] : memref<10000x128xf32, #tpu.memory_space<hbm>> -> memref<10000x128xf32, #tpu.memory_space<hbm>>
      tpu.enqueue_indirect_dma source(%dma_start3A_152 : memref<10000x128xf32, #tpu.memory_space<hbm>>) target(%arg8 : memref<80x128xf32, #tpu.memory_space<vmem>>) offsets(%dma_start3A_149 : memref<80xi32, #tpu.memory_space<vmem>>) semaphore(%arg11 : memref<!tpu.dma_semaphore, #tpu.memory_space<semaphore_mem>>)
      %dma_wait3A_153 = arith.constant 0 : i32
      %dma_wait3A_154 = arith.constant 0 : i32
      %dma_wait3A_155 = tpu.memref_slice %arg6[%dma_wait3A_153, %dma_wait3A_154] : memref<127x80xi32, #tpu.memory_space<vmem>> -> memref<1x80xi32, #tpu.memory_space<vmem>>
      %dma_wait3A_156 = tpu.memref_squeeze %dma_wait3A_155 : memref<1x80xi32, #tpu.memory_space<vmem>> -> memref<80xi32, #tpu.memory_space<vmem>>
      %dma_wait3A_157 = arith.constant 0 : i32
      %dma_wait3A_158 = arith.constant 0 : i32
      %dma_wait3A_159 = tpu.memref_slice %arg2[%dma_wait3A_157, %dma_wait3A_158] : memref<10000x128xf32, #tpu.memory_space<hbm>> -> memref<10000x128xf32, #tpu.memory_space<hbm>>
      tpu.wait_indirect_dma semaphore(%arg12 : memref<!tpu.dma_semaphore, #tpu.memory_space<semaphore_mem>>) src(%dma_wait3A_159 : memref<10000x128xf32, #tpu.memory_space<hbm>>) dst(%arg9 : memref<80x128xf32, #tpu.memory_space<vmem>>)
      %add3A_160 = arith.constant 1 : i32
      %add3A_161 = arith.addi %mul3A_109, %add3A_160 : i32
      %dma_start3A_162 = arith.constant 0 : i32
      %dma_start3A_163 = tpu.memref_slice %arg7[%add3A_161, %dma_start3A_162] : memref<126x80xi32, #tpu.memory_space<vmem>> -> memref<1x80xi32, #tpu.memory_space<vmem>>
      %dma_start3A_164 = tpu.memref_squeeze %dma_start3A_163 : memref<1x80xi32, #tpu.memory_space<vmem>> -> memref<80xi32, #tpu.memory_space<vmem>>
      %dma_start3A_165 = arith.constant 0 : i32
      %dma_start3A_166 = arith.constant 0 : i32
      %dma_start3A_167 = tpu.memref_slice %arg10[%dma_start3A_165, %dma_start3A_166] : memref<10240x128xf32, #tpu.memory_space<vmem_shared>> -> memref<10240x128xf32, #tpu.memory_space<vmem_shared>>
      tpu.enqueue_indirect_dma source(%arg9 : memref<80x128xf32, #tpu.memory_space<vmem>>) target(%dma_start3A_167 : memref<10240x128xf32, #tpu.memory_space<vmem_shared>>) offsets(%dma_start3A_164 : memref<80xi32, #tpu.memory_space<vmem>>) semaphore(%arg14 : memref<!tpu.dma_semaphore, #tpu.memory_space<semaphore_mem>>) {add = true}
      %while3A_168 = arith.constant 0 : i32
      scf.yield %while3A_168 : i32
    }
    %while3A_90 = arith.constant 1 : i32
    %while3A_91 = scf.for %while3A_106 = %while3A_87 to %while3A_83 step %while3A_90 iter_args(%while3A_107 = %while3A_89) -> (i32)  : i32 {
      %mul3A_108 = arith.constant 2 : i32
      %mul3A_109 = arith.muli %mul3A_108, %while3A_106 : i32
      %dma_wait3A_110 = arith.constant 0 : i32
      %dma_wait3A_111 = arith.constant 0 : i32
      %dma_wait3A_112 = tpu.memref_slice %arg7[%dma_wait3A_110, %dma_wait3A_111] : memref<126x80xi32, #tpu.memory_space<vmem>> -> memref<1x80xi32, #tpu.memory_space<vmem>>
      %dma_wait3A_113 = tpu.memref_squeeze %dma_wait3A_112 : memref<1x80xi32, #tpu.memory_space<vmem>> -> memref<80xi32, #tpu.memory_space<vmem>>
      %dma_wait3A_114 = arith.constant 0 : i32
      %dma_wait3A_115 = arith.constant 0 : i32
      %dma_wait3A_116 = tpu.memref_slice %arg10[%dma_wait3A_114, %dma_wait3A_115] : memref<10240x128xf32, #tpu.memory_space<vmem_shared>> -> memref<10240x128xf32, #tpu.memory_space<vmem_shared>>
      tpu.wait_indirect_dma semaphore(%arg14 : memref<!tpu.dma_semaphore, #tpu.memory_space<semaphore_mem>>) src(%arg9 : memref<80x128xf32, #tpu.memory_space<vmem>>) dst(%dma_wait3A_116 : memref<10240x128xf32, #tpu.memory_space<vmem_shared>>)
      %add3A_117 = arith.constant 1 : i32
      %add3A_118 = arith.addi %mul3A_109, %add3A_117 : i32
      %dma_start3A_119 = arith.constant 0 : i32
      %dma_start3A_120 = tpu.memref_slice %arg6[%add3A_118, %dma_start3A_119] : memref<127x80xi32, #tpu.memory_space<vmem>> -> memref<1x80xi32, #tpu.memory_space<vmem>>
      %dma_start3A_121 = tpu.memref_squeeze %dma_start3A_120 : memref<1x80xi32, #tpu.memory_space<vmem>> -> memref<80xi32, #tpu.memory_space<vmem>>
      %dma_start3A_122 = arith.constant 0 : i32
      %dma_start3A_123 = arith.constant 0 : i32
      %dma_start3A_124 = tpu.memref_slice %arg2[%dma_start3A_122, %dma_start3A_123] : memref<10000x128xf32, #tpu.memory_space<hbm>> -> memref<10000x128xf32, #tpu.memory_space<hbm>>
      tpu.enqueue_indirect_dma source(%dma_start3A_124 : memref<10000x128xf32, #tpu.memory_space<hbm>>) target(%arg9 : memref<80x128xf32, #tpu.memory_space<vmem>>) offsets(%dma_start3A_121 : memref<80xi32, #tpu.memory_space<vmem>>) semaphore(%arg12 : memref<!tpu.dma_semaphore, #tpu.memory_space<semaphore_mem>>)
      %dma_wait3A_125 = arith.constant 0 : i32
      %dma_wait3A_126 = arith.constant 0 : i32
      %dma_wait3A_127 = tpu.memref_slice %arg6[%dma_wait3A_125, %dma_wait3A_126] : memref<127x80xi32, #tpu.memory_space<vmem>> -> memref<1x80xi32, #tpu.memory_space<vmem>>
      %dma_wait3A_128 = tpu.memref_squeeze %dma_wait3A_127 : memref<1x80xi32, #tpu.memory_space<vmem>> -> memref<80xi32, #tpu.memory_space<vmem>>
      %dma_wait3A_129 = arith.constant 0 : i32
      %dma_wait3A_130 = arith.constant 0 : i32
      %dma_wait3A_131 = tpu.memref_slice %arg2[%dma_wait3A_129, %dma_wait3A_130] : memref<10000x128xf32, #tpu.memory_space<hbm>> -> memref<10000x128xf32, #tpu.memory_space<hbm>>
      tpu.wait_indirect_dma semaphore(%arg11 : memref<!tpu.dma_semaphore, #tpu.memory_space<semaphore_mem>>) src(%dma_wait3A_131 : memref<10000x128xf32, #tpu.memory_space<hbm>>) dst(%arg8 : memref<80x128xf32, #tpu.memory_space<vmem>>)
      %dma_start3A_132 = arith.constant 0 : i32
      %dma_start3A_133 = tpu.memref_slice %arg7[%mul3A_109, %dma_start3A_132] : memref<126x80xi32, #tpu.memory_space<vmem>> -> memref<1x80xi32, #tpu.memory_space<vmem>>
      %dma_start3A_134 = tpu.memref_squeeze %dma_start3A_133 : memref<1x80xi32, #tpu.memory_space<vmem>> -> memref<80xi32, #tpu.memory_space<vmem>>
      %dma_start3A_135 = arith.constant 0 : i32
      %dma_start3A_136 = arith.constant 0 : i32
      %dma_start3A_137 = tpu.memref_slice %arg10[%dma_start3A_135, %dma_start3A_136] : memref<10240x128xf32, #tpu.memory_space<vmem_shared>> -> memref<10240x128xf32, #tpu.memory_space<vmem_shared>>
      tpu.enqueue_indirect_dma source(%arg8 : memref<80x128xf32, #tpu.memory_space<vmem>>) target(%dma_start3A_137 : memref<10240x128xf32, #tpu.memory_space<vmem_shared>>) offsets(%dma_start3A_134 : memref<80xi32, #tpu.memory_space<vmem>>) semaphore(%arg13 : memref<!tpu.dma_semaphore, #tpu.memory_space<semaphore_mem>>) {add = true}
      %dma_wait3A_138 = arith.constant 0 : i32
      %dma_wait3A_139 = arith.constant 0 : i32
      %dma_wait3A_140 = tpu.memref_slice %arg7[%dma_wait3A_138, %dma_wait3A_139] : memref<126x80xi32, #tpu.memory_space<vmem>> -> memref<1x80xi32, #tpu.memory_space<vmem>>
      %dma_wait3A_141 = tpu.memref_squeeze %dma_wait3A_140 : memref<1x80xi32, #tpu.memory_space<vmem>> -> memref<80xi32, #tpu.memory_space<vmem>>
      %dma_wait3A_142 = arith.constant 0 : i32
      %dma_wait3A_143 = arith.constant 0 : i32
      %dma_wait3A_144 = tpu.memref_slice %arg10[%dma_wait3A_142, %dma_wait3A_143] : memref<10240x128xf32, #tpu.memory_space<vmem_shared>> -> memref<10240x128xf32, #tpu.memory_space<vmem_shared>>
      tpu.wait_indirect_dma semaphore(%arg13 : memref<!tpu.dma_semaphore, #tpu.memory_space<semaphore_mem>>) src(%arg8 : memref<80x128xf32, #tpu.memory_space<vmem>>) dst(%dma_wait3A_144 : memref<10240x128xf32, #tpu.memory_space<vmem_shared>>)
      %add3A_145 = arith.constant 2 : i32
      %add3A_146 = arith.addi %mul3A_109, %add3A_145 : i32
      %dma_start3A_147 = arith.constant 0 : i32
      %dma_start3A_148 = tpu.memref_slice %arg6[%add3A_146, %dma_start3A_147] : memref<127x80xi32, #tpu.memory_space<vmem>> -> memref<1x80xi32, #tpu.memory_space<vmem>>
      %dma_start3A_149 = tpu.memref_squeeze %dma_start3A_148 : memref<1x80xi32, #tpu.memory_space<vmem>> -> memref<80xi32, #tpu.memory_space<vmem>>
      %dma_start3A_150 = arith.constant 0 : i32
      %dma_start3A_151 = arith.constant 0 : i32
      %dma_start3A_152 = tpu.memref_slice %arg2[%dma_start3A_150, %dma_start3A_151] : memref<10000x128xf32, #tpu.memory_space<hbm>> -> memref<10000x128xf32, #tpu.memory_space<hbm>>
      tpu.enqueue_indirect_dma source(%dma_start3A_152 : memref<10000x128xf32, #tpu.memory_space<hbm>>) target(%arg8 : memref<80x128xf32, #tpu.memory_space<vmem>>) offsets(%dma_start3A_149 : memref<80xi32, #tpu.memory_space<vmem>>) semaphore(%arg11 : memref<!tpu.dma_semaphore, #tpu.memory_space<semaphore_mem>>)
      %dma_wait3A_153 = arith.constant 0 : i32
      %dma_wait3A_154 = arith.constant 0 : i32
      %dma_wait3A_155 = tpu.memref_slice %arg6[%dma_wait3A_153, %dma_wait3A_154] : memref<127x80xi32, #tpu.memory_space<vmem>> -> memref<1x80xi32, #tpu.memory_space<vmem>>
      %dma_wait3A_156 = tpu.memref_squeeze %dma_wait3A_155 : memref<1x80xi32, #tpu.memory_space<vmem>> -> memref<80xi32, #tpu.memory_space<vmem>>
      %dma_wait3A_157 = arith.constant 0 : i32
      %dma_wait3A_158 = arith.constant 0 : i32
      %dma_wait3A_159 = tpu.memref_slice %arg2[%dma_wait3A_157, %dma_wait3A_158] : memref<10000x128xf32, #tpu.memory_space<hbm>> -> memref<10000x128xf32, #tpu.memory_space<hbm>>
      tpu.wait_indirect_dma semaphore(%arg12 : memref<!tpu.dma_semaphore, #tpu.memory_space<semaphore_mem>>) src(%dma_wait3A_159 : memref<10000x128xf32, #tpu.memory_space<hbm>>) dst(%arg9 : memref<80x128xf32, #tpu.memory_space<vmem>>)
      %add3A_160 = arith.constant 1 : i32
      %add3A_161 = arith.addi %mul3A_109, %add3A_160 : i32
      %dma_start3A_162 = arith.constant 0 : i32
      %dma_start3A_163 = tpu.memref_slice %arg7[%add3A_161, %dma_start3A_162] : memref<126x80xi32, #tpu.memory_space<vmem>> -> memref<1x80xi32, #tpu.memory_space<vmem>>
      %dma_start3A_164 = tpu.memref_squeeze %dma_start3A_163 : memref<1x80xi32, #tpu.memory_space<vmem>> -> memref<80xi32, #tpu.memory_space<vmem>>
      %dma_start3A_165 = arith.constant 0 : i32
      %dma_start3A_166 = arith.constant 0 : i32
      %dma_start3A_167 = tpu.memref_slice %arg10[%dma_start3A_165, %dma_start3A_166] : memref<10240x128xf32, #tpu.memory_space<vmem_shared>> -> memref<10240x128xf32, #tpu.memory_space<vmem_shared>>
      tpu.enqueue_indirect_dma source(%arg9 : memref<80x128xf32, #tpu.memory_space<vmem>>) target(%dma_start3A_167 : memref<10240x128xf32, #tpu.memory_space<vmem_shared>>) offsets(%dma_start3A_164 : memref<80xi32, #tpu.memory_space<vmem>>) semaphore(%arg14 : memref<!tpu.dma_semaphore, #tpu.memory_space<semaphore_mem>>) {add = true}
      %while3A_168 = arith.constant 0 : i32
      scf.yield %while3A_168 : i32
    }
    %dma_wait3A = arith.constant 0 : i32
    %dma_wait3A_92 = arith.constant 0 : i32
    %dma_wait3A_93 = tpu.memref_slice %arg7[%dma_wait3A, %dma_wait3A_92] : memref<126x80xi32, #tpu.memory_space<vmem>> -> memref<1x80xi32, #tpu.memory_space<vmem>>
    %dma_wait3A_94 = tpu.memref_squeeze %dma_wait3A_93 : memref<1x80xi32, #tpu.memory_space<vmem>> -> memref<80xi32, #tpu.memory_space<vmem>>
    %dma_wait3A_95 = arith.constant 0 : i32
    %dma_wait3A_96 = arith.constant 0 : i32
    %dma_wait3A_97 = tpu.memref_slice %arg10[%dma_wait3A_95, %dma_wait3A_96] : memref<10240x128xf32, #tpu.memory_space<vmem_shared>> -> memref<10240x128xf32, #tpu.memory_space<vmem_shared>>
    tpu.wait_indirect_dma semaphore(%arg14 : memref<!tpu.dma_semaphore, #tpu.memory_space<semaphore_mem>>) src(%arg9 : memref<80x128xf32, #tpu.memory_space<vmem>>) dst(%dma_wait3A_97 : memref<10240x128xf32, #tpu.memory_space<vmem_shared>>)
    %dma_wait3A_98 = arith.constant 0 : i32
    %dma_wait3A_99 = arith.constant 0 : i32
    %dma_wait3A_100 = tpu.memref_slice %arg6[%dma_wait3A_98, %dma_wait3A_99] : memref<127x80xi32, #tpu.memory_space<vmem>> -> memref<1x80xi32, #tpu.memory_space<vmem>>
    %dma_wait3A_101 = tpu.memref_squeeze %dma_wait3A_100 : memref<1x80xi32, #tpu.memory_space<vmem>> -> memref<80xi32, #tpu.memory_space<vmem>>
    %dma_wait3A_102 = arith.constant 0 : i32
    %dma_wait3A_103 = arith.constant 0 : i32
    %dma_wait3A_104 = tpu.memref_slice %arg2[%dma_wait3A_102, %dma_wait3A_103] : memref<10000x128xf32, #tpu.memory_space<hbm>> -> memref<10000x128xf32, #tpu.memory_space<hbm>>
    tpu.wait_indirect_dma semaphore(%arg11 : memref<!tpu.dma_semaphore, #tpu.memory_space<semaphore_mem>>) src(%dma_wait3A_104 : memref<10000x128xf32, #tpu.memory_space<hbm>>) dst(%arg8 : memref<80x128xf32, #tpu.memory_space<vmem>>)
    %barrier3A_105 = arith.constant 0 : index
    tpu.barrier barrier_id(%barrier3A_105)
    "tpu.region"() ({
      %run_scoped3A = tpu.sem_alloc : memref<!tpu.dma_semaphore, #tpu.memory_space<semaphore_mem>>
      %dma_start3A_106 = arith.constant 0 : i32
      %dma_start3A_107 = tpu.memref_slice %arg5[%arg0, %mul3A_2, %dma_start3A_106] : memref<2x10240x128xf32, #tpu.memory_space<hbm>> -> memref<1x640x128xf32, #tpu.memory_space<hbm>>
      %dma_start3A_108 = tpu.memref_squeeze %dma_start3A_107 : memref<1x640x128xf32, #tpu.memory_space<hbm>> -> memref<640x128xf32, #tpu.memory_space<hbm>>
      %dma_start3A_109 = arith.constant 0 : i32
      %dma_start3A_110 = tpu.memref_slice %arg10[%mul3A_2, %dma_start3A_109] : memref<10240x128xf32, #tpu.memory_space<vmem_shared>> -> memref<640x128xf32, #tpu.memory_space<vmem_shared>>
      tpu.enqueue_dma source(%dma_start3A_110 : memref<640x128xf32, #tpu.memory_space<vmem_shared>>) target(%dma_start3A_108 : memref<640x128xf32, #tpu.memory_space<hbm>>) target_semaphore(%run_scoped3A : memref<!tpu.dma_semaphore, #tpu.memory_space<semaphore_mem>>)
      %dma_wait3A_111 = arith.constant 0 : i32
      %dma_wait3A_112 = tpu.memref_slice %arg5[%arg0, %mul3A_2, %dma_wait3A_111] : memref<2x10240x128xf32, #tpu.memory_space<hbm>> -> memref<1x640x128xf32, #tpu.memory_space<hbm>>
      %dma_wait3A_113 = tpu.memref_squeeze %dma_wait3A_112 : memref<1x640x128xf32, #tpu.memory_space<hbm>> -> memref<640x128xf32, #tpu.memory_space<hbm>>
      %dma_wait3A_114 = arith.constant 0 : i32
      %dma_wait3A_115 = tpu.memref_slice %arg10[%mul3A_2, %dma_wait3A_114] : memref<10240x128xf32, #tpu.memory_space<vmem_shared>> -> memref<640x128xf32, #tpu.memory_space<vmem_shared>>
      tpu.wait_dma2 semaphore(%run_scoped3A : memref<!tpu.dma_semaphore, #tpu.memory_space<semaphore_mem>>) src(%dma_wait3A_115 : memref<640x128xf32, #tpu.memory_space<vmem_shared>>) dst(%dma_wait3A_113 : memref<640x128xf32, #tpu.memory_space<hbm>>)
      tpu.yield
    }) : () -> ()
    return
  }
}

#map = affine_map<(d0, d1) -> (0, 0)>
#map1 = affine_map<(d0, d1) -> (0, 0, 0)>
module attributes {stable_mosaic.version = 14 : i64} {
  func.func @body(%arg0: i32, %arg1: i32, %arg2: memref<10000x64xf32, #tpu.memory_space<hbm>>, %arg3: memref<32x126x80xi32, #tpu.memory_space<hbm>>, %arg4: memref<32x126x80xi32, #tpu.memory_space<hbm>>, %arg5: memref<2x10240x64xf32, #tpu.memory_space<hbm>>, %arg6: memref<127x80xi32, #tpu.memory_space<vmem>>, %arg7: memref<126x80xi32, #tpu.memory_space<vmem>>, %arg8: memref<80x64xf32, #tpu.memory_space<vmem>>, %arg9: memref<80x64xf32, #tpu.memory_space<vmem>>, %arg10: memref<10240x64xf32, #tpu.memory_space<vmem_shared>>, %arg11: memref<!tpu.dma_semaphore, #tpu.memory_space<semaphore_mem>>, %arg12: memref<!tpu.dma_semaphore, #tpu.memory_space<semaphore_mem>>, %arg13: memref<!tpu.dma_semaphore, #tpu.memory_space<semaphore_mem>>, %arg14: memref<!tpu.dma_semaphore, #tpu.memory_space<semaphore_mem>>) attributes {dimension_semantics = [#tpu.dimension_semantics<core_parallel>, #tpu.dimension_semantics<subcore_parallel>], iteration_bounds = array<i64: 2, 16>, scalar_prefetch = 0 : i64, scratch_operands = 9 : i64, tpu.core_type = #tpu.core_type<sc_vector_subcore>, window_params = [{transform_indices = #map}, {transform_indices = #map1}, {transform_indices = #map1}, {transform_indices = #map1}]} {
    %mul3A = arith.constant 16 : i32
    %mul3A_0 = arith.muli %arg0, %mul3A : i32
    %add3A = arith.addi %mul3A_0, %arg1 : i32
    %mul3A_1 = arith.constant 640 : i32
    %mul3A_2 = arith.muli %arg1, %mul3A_1 : i32
    %broadcast_in_dim3A = arith.constant 0.000000e+00 : f32
    %broadcast_in_dim3A_3 = vector.broadcast %broadcast_in_dim3A : f32 to vector<16xf32>
    %scan3A = arith.constant 0 : i32
    %scan3A_4 = arith.constant 0 : i32
    %scan3A_5 = arith.constant 320 : i32
    %scan3A_6 = arith.addi %scan3A_4, %scan3A_5 : i32
    %scan3A_7 = arith.constant 1 : i32
    %scan3A_8 = scf.for %scan3A_106 = %scan3A_4 to %scan3A_6 step %scan3A_7 iter_args(%scan3A_107 = %scan3A) -> (i32)  : i32 {
      %jit3A_108 = arith.constant 4 : i32
      %div3A = arith.divsi %scan3A_106, %jit3A_108 : i32
      %sign3A = arith.constant 0 : i32
      %sign3A_109 = arith.cmpi sgt, %scan3A_106, %sign3A : i32
      %sign3A_110 = arith.extui %sign3A_109 : i1 to i32
      %sign3A_111 = arith.constant 0 : i32
      %sign3A_112 = arith.cmpi slt, %scan3A_106, %sign3A_111 : i32
      %sign3A_113 = arith.extui %sign3A_112 : i1 to i32
      %sign3A_114 = arith.subi %sign3A_110, %sign3A_113 : i32
      %sign3A_115 = arith.constant 0 : i32
      %sign3A_116 = arith.cmpi sgt, %jit3A_108, %sign3A_115 : i32
      %sign3A_117 = arith.extui %sign3A_116 : i1 to i32
      %sign3A_118 = arith.constant 0 : i32
      %sign3A_119 = arith.cmpi slt, %jit3A_108, %sign3A_118 : i32
      %sign3A_120 = arith.extui %sign3A_119 : i1 to i32
      %sign3A_121 = arith.subi %sign3A_117, %sign3A_120 : i32
      %ne3A = arith.cmpi ne, %sign3A_114, %sign3A_121 : i32
      %rem3A = arith.remsi %scan3A_106, %jit3A_108 : i32
      %ne3A_122 = arith.constant 0 : i32
      %ne3A_123 = arith.cmpi ne, %rem3A, %ne3A_122 : i32
      %and3A = arith.andi %ne3A, %ne3A_123 : i1
      %sub3A = arith.constant 1 : i32
      %sub3A_124 = arith.subi %div3A, %sub3A : i32
      %select_n3A_125 = arith.select %and3A, %sub3A_124, %div3A : i32
      %jit3A_126 = arith.constant 4 : i32
      %eq3A_127 = arith.constant 0 : i32
      %eq3A_128 = arith.cmpi eq, %jit3A_126, %eq3A_127 : i32
      %jit3A_129 = arith.constant 1 : i32
      %select_n3A_130 = arith.select %eq3A_128, %jit3A_129, %jit3A_126 : i32
      %rem3A_131 = arith.remsi %scan3A_106, %select_n3A_130 : i32
      %ne3A_132 = arith.constant 0 : i32
      %ne3A_133 = arith.cmpi ne, %rem3A_131, %ne3A_132 : i32
      %lt3A = arith.constant 0 : i32
      %lt3A_134 = arith.cmpi slt, %rem3A_131, %lt3A : i32
      %lt3A_135 = arith.constant 0 : i32
      %lt3A_136 = arith.cmpi slt, %select_n3A_130, %lt3A_135 : i32
      %ne3A_137 = arith.xori %lt3A_134, %lt3A_136 : i1
      %and3A_138 = arith.andi %ne3A_137, %ne3A_133 : i1
      %add3A_139 = arith.addi %rem3A_131, %select_n3A_130 : i32
      %select_n3A_140 = arith.select %and3A_138, %add3A_139, %rem3A_131 : i32
      %mul3A_141 = arith.constant 16 : i32
      %mul3A_142 = arith.muli %select_n3A_140, %mul3A_141 : i32
      %swap3A_143 = arith.index_cast %select_n3A_125 : i32 to index
      %swap3A_144 = arith.index_cast %mul3A_142 : i32 to index
      %swap3A_145 = tpu.vector_load %arg8[%swap3A_143, %swap3A_144] {strides = array<i32>} : memref<80x64xf32, #tpu.memory_space<vmem>>, vector<1x16xf32>,
      %swap3A_146 = vector.shape_cast %swap3A_145 : vector<1x16xf32> to vector<16xf32>
      %swap3A_147 = vector.shape_cast %broadcast_in_dim3A_3 : vector<16xf32> to vector<1x16xf32>
      tpu.vector_store %arg8[%swap3A_143, %swap3A_144], %swap3A_147 {strides = array<i32>} : memref<80x64xf32, #tpu.memory_space<vmem>>, vector<1x16xf32>,
      %scan3A_148 = arith.constant 0 : i32
      scf.yield %scan3A_148 : i32
    }
    %scan3A_9 = arith.constant 320 : i32
    %broadcast_in_dim3A_10 = arith.constant 0.000000e+00 : f32
    %broadcast_in_dim3A_11 = vector.broadcast %broadcast_in_dim3A_10 : f32 to vector<16xf32>
    %scan3A_12 = arith.constant 0 : i32
    %scan3A_13 = arith.constant 0 : i32
    %scan3A_14 = arith.constant 320 : i32
    %scan3A_15 = arith.addi %scan3A_13, %scan3A_14 : i32
    %scan3A_16 = arith.constant 1 : i32
    %scan3A_17 = scf.for %scan3A_106 = %scan3A_13 to %scan3A_15 step %scan3A_16 iter_args(%scan3A_107 = %scan3A_12) -> (i32)  : i32 {
      %jit3A_108 = arith.constant 4 : i32
      %div3A = arith.divsi %scan3A_106, %jit3A_108 : i32
      %sign3A = arith.constant 0 : i32
      %sign3A_109 = arith.cmpi sgt, %scan3A_106, %sign3A : i32
      %sign3A_110 = arith.extui %sign3A_109 : i1 to i32
      %sign3A_111 = arith.constant 0 : i32
      %sign3A_112 = arith.cmpi slt, %scan3A_106, %sign3A_111 : i32
      %sign3A_113 = arith.extui %sign3A_112 : i1 to i32
      %sign3A_114 = arith.subi %sign3A_110, %sign3A_113 : i32
      %sign3A_115 = arith.constant 0 : i32
      %sign3A_116 = arith.cmpi sgt, %jit3A_108, %sign3A_115 : i32
      %sign3A_117 = arith.extui %sign3A_116 : i1 to i32
      %sign3A_118 = arith.constant 0 : i32
      %sign3A_119 = arith.cmpi slt, %jit3A_108, %sign3A_118 : i32
      %sign3A_120 = arith.extui %sign3A_119 : i1 to i32
      %sign3A_121 = arith.subi %sign3A_117, %sign3A_120 : i32
      %ne3A = arith.cmpi ne, %sign3A_114, %sign3A_121 : i32
      %rem3A = arith.remsi %scan3A_106, %jit3A_108 : i32
      %ne3A_122 = arith.constant 0 : i32
      %ne3A_123 = arith.cmpi ne, %rem3A, %ne3A_122 : i32
      %and3A = arith.andi %ne3A, %ne3A_123 : i1
      %sub3A = arith.constant 1 : i32
      %sub3A_124 = arith.subi %div3A, %sub3A : i32
      %select_n3A_125 = arith.select %and3A, %sub3A_124, %div3A : i32
      %jit3A_126 = arith.constant 4 : i32
      %eq3A_127 = arith.constant 0 : i32
      %eq3A_128 = arith.cmpi eq, %jit3A_126, %eq3A_127 : i32
      %jit3A_129 = arith.constant 1 : i32
      %select_n3A_130 = arith.select %eq3A_128, %jit3A_129, %jit3A_126 : i32
      %rem3A_131 = arith.remsi %scan3A_106, %select_n3A_130 : i32
      %ne3A_132 = arith.constant 0 : i32
      %ne3A_133 = arith.cmpi ne, %rem3A_131, %ne3A_132 : i32
      %lt3A = arith.constant 0 : i32
      %lt3A_134 = arith.cmpi slt, %rem3A_131, %lt3A : i32
      %lt3A_135 = arith.constant 0 : i32
      %lt3A_136 = arith.cmpi slt, %select_n3A_130, %lt3A_135 : i32
      %ne3A_137 = arith.xori %lt3A_134, %lt3A_136 : i1
      %and3A_138 = arith.andi %ne3A_137, %ne3A_133 : i1
      %add3A_139 = arith.addi %rem3A_131, %select_n3A_130 : i32
      %select_n3A_140 = arith.select %and3A_138, %add3A_139, %rem3A_131 : i32
      %mul3A_141 = arith.constant 16 : i32
      %mul3A_142 = arith.muli %select_n3A_140, %mul3A_141 : i32
      %swap3A_143 = arith.index_cast %select_n3A_125 : i32 to index
      %swap3A_144 = arith.index_cast %mul3A_142 : i32 to index
      %swap3A_145 = tpu.vector_load %arg9[%swap3A_143, %swap3A_144] {strides = array<i32>} : memref<80x64xf32, #tpu.memory_space<vmem>>, vector<1x16xf32>,
      %swap3A_146 = vector.shape_cast %swap3A_145 : vector<1x16xf32> to vector<16xf32>
      %swap3A_147 = vector.shape_cast %broadcast_in_dim3A_11 : vector<16xf32> to vector<1x16xf32>
      tpu.vector_store %arg9[%swap3A_143, %swap3A_144], %swap3A_147 {strides = array<i32>} : memref<80x64xf32, #tpu.memory_space<vmem>>, vector<1x16xf32>,
      %scan3A_148 = arith.constant 0 : i32
      scf.yield %scan3A_148 : i32
    }
    %scan3A_18 = arith.constant 320 : i32
    %add3A_19 = arith.constant 0 : i32
    %add3A_20 = arith.addi %mul3A_2, %add3A_19 : i32
    "tpu.region"() ({
      %run_scoped3A = tpu.sem_alloc : memref<!tpu.dma_semaphore, #tpu.memory_space<semaphore_mem>>
      %dma_start3A_106 = arith.constant 0 : i32
      %dma_start3A_107 = tpu.memref_slice %arg10[%add3A_20, %dma_start3A_106] : memref<10240x64xf32, #tpu.memory_space<vmem_shared>> -> memref<80x64xf32, #tpu.memory_space<vmem_shared>>
      %dma_start3A_108 = arith.constant 0 : i32
      %dma_start3A_109 = tpu.memref_slice %arg10[%add3A_20, %dma_start3A_108] : memref<10240x64xf32, #tpu.memory_space<vmem_shared>> -> memref<80x64xf32, #tpu.memory_space<vmem_shared>>
      tpu.enqueue_dma source(%arg8 : memref<80x64xf32, #tpu.memory_space<vmem>>) target(%dma_start3A_109 : memref<80x64xf32, #tpu.memory_space<vmem_shared>>) target_semaphore(%run_scoped3A : memref<!tpu.dma_semaphore, #tpu.memory_space<semaphore_mem>>)
      %dma_wait3A_110 = arith.constant 0 : i32
      %dma_wait3A_111 = tpu.memref_slice %arg10[%add3A_20, %dma_wait3A_110] : memref<10240x64xf32, #tpu.memory_space<vmem_shared>> -> memref<80x64xf32, #tpu.memory_space<vmem_shared>>
      %dma_wait3A_112 = arith.constant 0 : i32
      %dma_wait3A_113 = tpu.memref_slice %arg10[%add3A_20, %dma_wait3A_112] : memref<10240x64xf32, #tpu.memory_space<vmem_shared>> -> memref<80x64xf32, #tpu.memory_space<vmem_shared>>
      tpu.wait_dma2 semaphore(%run_scoped3A : memref<!tpu.dma_semaphore, #tpu.memory_space<semaphore_mem>>) src(%arg8 : memref<80x64xf32, #tpu.memory_space<vmem>>) dst(%dma_wait3A_113 : memref<80x64xf32, #tpu.memory_space<vmem_shared>>)
      tpu.yield
    }) : () -> ()
    %add3A_21 = arith.constant 80 : i32
    %add3A_22 = arith.addi %mul3A_2, %add3A_21 : i32
    "tpu.region"() ({
      %run_scoped3A = tpu.sem_alloc : memref<!tpu.dma_semaphore, #tpu.memory_space<semaphore_mem>>
      %dma_start3A_106 = arith.constant 0 : i32
      %dma_start3A_107 = tpu.memref_slice %arg10[%add3A_22, %dma_start3A_106] : memref<10240x64xf32, #tpu.memory_space<vmem_shared>> -> memref<80x64xf32, #tpu.memory_space<vmem_shared>>
      %dma_start3A_108 = arith.constant 0 : i32
      %dma_start3A_109 = tpu.memref_slice %arg10[%add3A_22, %dma_start3A_108] : memref<10240x64xf32, #tpu.memory_space<vmem_shared>> -> memref<80x64xf32, #tpu.memory_space<vmem_shared>>
      tpu.enqueue_dma source(%arg8 : memref<80x64xf32, #tpu.memory_space<vmem>>) target(%dma_start3A_109 : memref<80x64xf32, #tpu.memory_space<vmem_shared>>) target_semaphore(%run_scoped3A : memref<!tpu.dma_semaphore, #tpu.memory_space<semaphore_mem>>)
      %dma_wait3A_110 = arith.constant 0 : i32
      %dma_wait3A_111 = tpu.memref_slice %arg10[%add3A_22, %dma_wait3A_110] : memref<10240x64xf32, #tpu.memory_space<vmem_shared>> -> memref<80x64xf32, #tpu.memory_space<vmem_shared>>
      %dma_wait3A_112 = arith.constant 0 : i32
      %dma_wait3A_113 = tpu.memref_slice %arg10[%add3A_22, %dma_wait3A_112] : memref<10240x64xf32, #tpu.memory_space<vmem_shared>> -> memref<80x64xf32, #tpu.memory_space<vmem_shared>>
      tpu.wait_dma2 semaphore(%run_scoped3A : memref<!tpu.dma_semaphore, #tpu.memory_space<semaphore_mem>>) src(%arg8 : memref<80x64xf32, #tpu.memory_space<vmem>>) dst(%dma_wait3A_113 : memref<80x64xf32, #tpu.memory_space<vmem_shared>>)
      tpu.yield
    }) : () -> ()
    %add3A_23 = arith.constant 160 : i32
    %add3A_24 = arith.addi %mul3A_2, %add3A_23 : i32
    "tpu.region"() ({
      %run_scoped3A = tpu.sem_alloc : memref<!tpu.dma_semaphore, #tpu.memory_space<semaphore_mem>>
      %dma_start3A_106 = arith.constant 0 : i32
      %dma_start3A_107 = tpu.memref_slice %arg10[%add3A_24, %dma_start3A_106] : memref<10240x64xf32, #tpu.memory_space<vmem_shared>> -> memref<80x64xf32, #tpu.memory_space<vmem_shared>>
      %dma_start3A_108 = arith.constant 0 : i32
      %dma_start3A_109 = tpu.memref_slice %arg10[%add3A_24, %dma_start3A_108] : memref<10240x64xf32, #tpu.memory_space<vmem_shared>> -> memref<80x64xf32, #tpu.memory_space<vmem_shared>>
      tpu.enqueue_dma source(%arg8 : memref<80x64xf32, #tpu.memory_space<vmem>>) target(%dma_start3A_109 : memref<80x64xf32, #tpu.memory_space<vmem_shared>>) target_semaphore(%run_scoped3A : memref<!tpu.dma_semaphore, #tpu.memory_space<semaphore_mem>>)
      %dma_wait3A_110 = arith.constant 0 : i32
      %dma_wait3A_111 = tpu.memref_slice %arg10[%add3A_24, %dma_wait3A_110] : memref<10240x64xf32, #tpu.memory_space<vmem_shared>> -> memref<80x64xf32, #tpu.memory_space<vmem_shared>>
      %dma_wait3A_112 = arith.constant 0 : i32
      %dma_wait3A_113 = tpu.memref_slice %arg10[%add3A_24, %dma_wait3A_112] : memref<10240x64xf32, #tpu.memory_space<vmem_shared>> -> memref<80x64xf32, #tpu.memory_space<vmem_shared>>
      tpu.wait_dma2 semaphore(%run_scoped3A : memref<!tpu.dma_semaphore, #tpu.memory_space<semaphore_mem>>) src(%arg8 : memref<80x64xf32, #tpu.memory_space<vmem>>) dst(%dma_wait3A_113 : memref<80x64xf32, #tpu.memory_space<vmem_shared>>)
      tpu.yield
    }) : () -> ()
    %add3A_25 = arith.constant 240 : i32
    %add3A_26 = arith.addi %mul3A_2, %add3A_25 : i32
    "tpu.region"() ({
      %run_scoped3A = tpu.sem_alloc : memref<!tpu.dma_semaphore, #tpu.memory_space<semaphore_mem>>
      %dma_start3A_106 = arith.constant 0 : i32
      %dma_start3A_107 = tpu.memref_slice %arg10[%add3A_26, %dma_start3A_106] : memref<10240x64xf32, #tpu.memory_space<vmem_shared>> -> memref<80x64xf32, #tpu.memory_space<vmem_shared>>
      %dma_start3A_108 = arith.constant 0 : i32
      %dma_start3A_109 = tpu.memref_slice %arg10[%add3A_26, %dma_start3A_108] : memref<10240x64xf32, #tpu.memory_space<vmem_shared>> -> memref<80x64xf32, #tpu.memory_space<vmem_shared>>
      tpu.enqueue_dma source(%arg8 : memref<80x64xf32, #tpu.memory_space<vmem>>) target(%dma_start3A_109 : memref<80x64xf32, #tpu.memory_space<vmem_shared>>) target_semaphore(%run_scoped3A : memref<!tpu.dma_semaphore, #tpu.memory_space<semaphore_mem>>)
      %dma_wait3A_110 = arith.constant 0 : i32
      %dma_wait3A_111 = tpu.memref_slice %arg10[%add3A_26, %dma_wait3A_110] : memref<10240x64xf32, #tpu.memory_space<vmem_shared>> -> memref<80x64xf32, #tpu.memory_space<vmem_shared>>
      %dma_wait3A_112 = arith.constant 0 : i32
      %dma_wait3A_113 = tpu.memref_slice %arg10[%add3A_26, %dma_wait3A_112] : memref<10240x64xf32, #tpu.memory_space<vmem_shared>> -> memref<80x64xf32, #tpu.memory_space<vmem_shared>>
      tpu.wait_dma2 semaphore(%run_scoped3A : memref<!tpu.dma_semaphore, #tpu.memory_space<semaphore_mem>>) src(%arg8 : memref<80x64xf32, #tpu.memory_space<vmem>>) dst(%dma_wait3A_113 : memref<80x64xf32, #tpu.memory_space<vmem_shared>>)
      tpu.yield
    }) : () -> ()
    %add3A_27 = arith.constant 320 : i32
    %add3A_28 = arith.addi %mul3A_2, %add3A_27 : i32
    "tpu.region"() ({
      %run_scoped3A = tpu.sem_alloc : memref<!tpu.dma_semaphore, #tpu.memory_space<semaphore_mem>>
      %dma_start3A_106 = arith.constant 0 : i32
      %dma_start3A_107 = tpu.memref_slice %arg10[%add3A_28, %dma_start3A_106] : memref<10240x64xf32, #tpu.memory_space<vmem_shared>> -> memref<80x64xf32, #tpu.memory_space<vmem_shared>>
      %dma_start3A_108 = arith.constant 0 : i32
      %dma_start3A_109 = tpu.memref_slice %arg10[%add3A_28, %dma_start3A_108] : memref<10240x64xf32, #tpu.memory_space<vmem_shared>> -> memref<80x64xf32, #tpu.memory_space<vmem_shared>>
      tpu.enqueue_dma source(%arg8 : memref<80x64xf32, #tpu.memory_space<vmem>>) target(%dma_start3A_109 : memref<80x64xf32, #tpu.memory_space<vmem_shared>>) target_semaphore(%run_scoped3A : memref<!tpu.dma_semaphore, #tpu.memory_space<semaphore_mem>>)
      %dma_wait3A_110 = arith.constant 0 : i32
      %dma_wait3A_111 = tpu.memref_slice %arg10[%add3A_28, %dma_wait3A_110] : memref<10240x64xf32, #tpu.memory_space<vmem_shared>> -> memref<80x64xf32, #tpu.memory_space<vmem_shared>>
      %dma_wait3A_112 = arith.constant 0 : i32
      %dma_wait3A_113 = tpu.memref_slice %arg10[%add3A_28, %dma_wait3A_112] : memref<10240x64xf32, #tpu.memory_space<vmem_shared>> -> memref<80x64xf32, #tpu.memory_space<vmem_shared>>
      tpu.wait_dma2 semaphore(%run_scoped3A : memref<!tpu.dma_semaphore, #tpu.memory_space<semaphore_mem>>) src(%arg8 : memref<80x64xf32, #tpu.memory_space<vmem>>) dst(%dma_wait3A_113 : memref<80x64xf32, #tpu.memory_space<vmem_shared>>)
      tpu.yield
    }) : () -> ()
    %add3A_29 = arith.constant 400 : i32
    %add3A_30 = arith.addi %mul3A_2, %add3A_29 : i32
    "tpu.region"() ({
      %run_scoped3A = tpu.sem_alloc : memref<!tpu.dma_semaphore, #tpu.memory_space<semaphore_mem>>
      %dma_start3A_106 = arith.constant 0 : i32
      %dma_start3A_107 = tpu.memref_slice %arg10[%add3A_30, %dma_start3A_106] : memref<10240x64xf32, #tpu.memory_space<vmem_shared>> -> memref<80x64xf32, #tpu.memory_space<vmem_shared>>
      %dma_start3A_108 = arith.constant 0 : i32
      %dma_start3A_109 = tpu.memref_slice %arg10[%add3A_30, %dma_start3A_108] : memref<10240x64xf32, #tpu.memory_space<vmem_shared>> -> memref<80x64xf32, #tpu.memory_space<vmem_shared>>
      tpu.enqueue_dma source(%arg8 : memref<80x64xf32, #tpu.memory_space<vmem>>) target(%dma_start3A_109 : memref<80x64xf32, #tpu.memory_space<vmem_shared>>) target_semaphore(%run_scoped3A : memref<!tpu.dma_semaphore, #tpu.memory_space<semaphore_mem>>)
      %dma_wait3A_110 = arith.constant 0 : i32
      %dma_wait3A_111 = tpu.memref_slice %arg10[%add3A_30, %dma_wait3A_110] : memref<10240x64xf32, #tpu.memory_space<vmem_shared>> -> memref<80x64xf32, #tpu.memory_space<vmem_shared>>
      %dma_wait3A_112 = arith.constant 0 : i32
      %dma_wait3A_113 = tpu.memref_slice %arg10[%add3A_30, %dma_wait3A_112] : memref<10240x64xf32, #tpu.memory_space<vmem_shared>> -> memref<80x64xf32, #tpu.memory_space<vmem_shared>>
      tpu.wait_dma2 semaphore(%run_scoped3A : memref<!tpu.dma_semaphore, #tpu.memory_space<semaphore_mem>>) src(%arg8 : memref<80x64xf32, #tpu.memory_space<vmem>>) dst(%dma_wait3A_113 : memref<80x64xf32, #tpu.memory_space<vmem_shared>>)
      tpu.yield
    }) : () -> ()
    %add3A_31 = arith.constant 480 : i32
    %add3A_32 = arith.addi %mul3A_2, %add3A_31 : i32
    "tpu.region"() ({
      %run_scoped3A = tpu.sem_alloc : memref<!tpu.dma_semaphore, #tpu.memory_space<semaphore_mem>>
      %dma_start3A_106 = arith.constant 0 : i32
      %dma_start3A_107 = tpu.memref_slice %arg10[%add3A_32, %dma_start3A_106] : memref<10240x64xf32, #tpu.memory_space<vmem_shared>> -> memref<80x64xf32, #tpu.memory_space<vmem_shared>>
      %dma_start3A_108 = arith.constant 0 : i32
      %dma_start3A_109 = tpu.memref_slice %arg10[%add3A_32, %dma_start3A_108] : memref<10240x64xf32, #tpu.memory_space<vmem_shared>> -> memref<80x64xf32, #tpu.memory_space<vmem_shared>>
      tpu.enqueue_dma source(%arg8 : memref<80x64xf32, #tpu.memory_space<vmem>>) target(%dma_start3A_109 : memref<80x64xf32, #tpu.memory_space<vmem_shared>>) target_semaphore(%run_scoped3A : memref<!tpu.dma_semaphore, #tpu.memory_space<semaphore_mem>>)
      %dma_wait3A_110 = arith.constant 0 : i32
      %dma_wait3A_111 = tpu.memref_slice %arg10[%add3A_32, %dma_wait3A_110] : memref<10240x64xf32, #tpu.memory_space<vmem_shared>> -> memref<80x64xf32, #tpu.memory_space<vmem_shared>>
      %dma_wait3A_112 = arith.constant 0 : i32
      %dma_wait3A_113 = tpu.memref_slice %arg10[%add3A_32, %dma_wait3A_112] : memref<10240x64xf32, #tpu.memory_space<vmem_shared>> -> memref<80x64xf32, #tpu.memory_space<vmem_shared>>
      tpu.wait_dma2 semaphore(%run_scoped3A : memref<!tpu.dma_semaphore, #tpu.memory_space<semaphore_mem>>) src(%arg8 : memref<80x64xf32, #tpu.memory_space<vmem>>) dst(%dma_wait3A_113 : memref<80x64xf32, #tpu.memory_space<vmem_shared>>)
      tpu.yield
    }) : () -> ()
    %add3A_33 = arith.constant 560 : i32
    %add3A_34 = arith.addi %mul3A_2, %add3A_33 : i32
    "tpu.region"() ({
      %run_scoped3A = tpu.sem_alloc : memref<!tpu.dma_semaphore, #tpu.memory_space<semaphore_mem>>
      %dma_start3A_106 = arith.constant 0 : i32
      %dma_start3A_107 = tpu.memref_slice %arg10[%add3A_34, %dma_start3A_106] : memref<10240x64xf32, #tpu.memory_space<vmem_shared>> -> memref<80x64xf32, #tpu.memory_space<vmem_shared>>
      %dma_start3A_108 = arith.constant 0 : i32
      %dma_start3A_109 = tpu.memref_slice %arg10[%add3A_34, %dma_start3A_108] : memref<10240x64xf32, #tpu.memory_space<vmem_shared>> -> memref<80x64xf32, #tpu.memory_space<vmem_shared>>
      tpu.enqueue_dma source(%arg8 : memref<80x64xf32, #tpu.memory_space<vmem>>) target(%dma_start3A_109 : memref<80x64xf32, #tpu.memory_space<vmem_shared>>) target_semaphore(%run_scoped3A : memref<!tpu.dma_semaphore, #tpu.memory_space<semaphore_mem>>)
      %dma_wait3A_110 = arith.constant 0 : i32
      %dma_wait3A_111 = tpu.memref_slice %arg10[%add3A_34, %dma_wait3A_110] : memref<10240x64xf32, #tpu.memory_space<vmem_shared>> -> memref<80x64xf32, #tpu.memory_space<vmem_shared>>
      %dma_wait3A_112 = arith.constant 0 : i32
      %dma_wait3A_113 = tpu.memref_slice %arg10[%add3A_34, %dma_wait3A_112] : memref<10240x64xf32, #tpu.memory_space<vmem_shared>> -> memref<80x64xf32, #tpu.memory_space<vmem_shared>>
      tpu.wait_dma2 semaphore(%run_scoped3A : memref<!tpu.dma_semaphore, #tpu.memory_space<semaphore_mem>>) src(%arg8 : memref<80x64xf32, #tpu.memory_space<vmem>>) dst(%dma_wait3A_113 : memref<80x64xf32, #tpu.memory_space<vmem_shared>>)
      tpu.yield
    }) : () -> ()
    %barrier3A = arith.constant 0 : index
    tpu.barrier barrier_id(%barrier3A)
    "tpu.region"() ({
      %run_scoped3A = tpu.sem_alloc : memref<!tpu.dma_semaphore, #tpu.memory_space<semaphore_mem>>
      %dma_start3A_106 = arith.constant 0 : i32
      %dma_start3A_107 = arith.constant 0 : i32
      %dma_start3A_108 = tpu.memref_slice %arg6[%dma_start3A_106, %dma_start3A_107] : memref<127x80xi32, #tpu.memory_space<vmem>> -> memref<126x80xi32, #tpu.memory_space<vmem>>
      %dma_start3A_109 = arith.constant 0 : i32
      %dma_start3A_110 = arith.constant 0 : i32
      %dma_start3A_111 = tpu.memref_slice %arg3[%add3A, %dma_start3A_109, %dma_start3A_110] : memref<32x126x80xi32, #tpu.memory_space<hbm>> -> memref<1x126x80xi32, #tpu.memory_space<hbm>>
      %dma_start3A_112 = tpu.memref_squeeze %dma_start3A_111 : memref<1x126x80xi32, #tpu.memory_space<hbm>> -> memref<126x80xi32, #tpu.memory_space<hbm>>
      %dma_start3A_113 = arith.constant 0 : i32
      %dma_start3A_114 = arith.constant 0 : i32
      %dma_start3A_115 = tpu.memref_slice %arg6[%dma_start3A_113, %dma_start3A_114] : memref<127x80xi32, #tpu.memory_space<vmem>> -> memref<126x80xi32, #tpu.memory_space<vmem>>
      %dma_start3A_116 = arith.constant 0 : i32
      %dma_start3A_117 = arith.constant 0 : i32
      %dma_start3A_118 = tpu.memref_slice %arg3[%add3A, %dma_start3A_116, %dma_start3A_117] : memref<32x126x80xi32, #tpu.memory_space<hbm>> -> memref<1x126x80xi32, #tpu.memory_space<hbm>>
      %dma_start3A_119 = tpu.memref_squeeze %dma_start3A_118 : memref<1x126x80xi32, #tpu.memory_space<hbm>> -> memref<126x80xi32, #tpu.memory_space<hbm>>
      tpu.enqueue_dma source(%dma_start3A_119 : memref<126x80xi32, #tpu.memory_space<hbm>>) target(%dma_start3A_115 : memref<126x80xi32, #tpu.memory_space<vmem>>) target_semaphore(%run_scoped3A : memref<!tpu.dma_semaphore, #tpu.memory_space<semaphore_mem>>)
      %dma_wait3A_120 = arith.constant 0 : i32
      %dma_wait3A_121 = arith.constant 0 : i32
      %dma_wait3A_122 = tpu.memref_slice %arg6[%dma_wait3A_120, %dma_wait3A_121] : memref<127x80xi32, #tpu.memory_space<vmem>> -> memref<126x80xi32, #tpu.memory_space<vmem>>
      %dma_wait3A_123 = arith.constant 0 : i32
      %dma_wait3A_124 = arith.constant 0 : i32
      %dma_wait3A_125 = tpu.memref_slice %arg3[%add3A, %dma_wait3A_123, %dma_wait3A_124] : memref<32x126x80xi32, #tpu.memory_space<hbm>> -> memref<1x126x80xi32, #tpu.memory_space<hbm>>
      %dma_wait3A_126 = tpu.memref_squeeze %dma_wait3A_125 : memref<1x126x80xi32, #tpu.memory_space<hbm>> -> memref<126x80xi32, #tpu.memory_space<hbm>>
      %dma_wait3A_127 = arith.constant 0 : i32
      %dma_wait3A_128 = arith.constant 0 : i32
      %dma_wait3A_129 = tpu.memref_slice %arg6[%dma_wait3A_127, %dma_wait3A_128] : memref<127x80xi32, #tpu.memory_space<vmem>> -> memref<126x80xi32, #tpu.memory_space<vmem>>
      %dma_wait3A_130 = arith.constant 0 : i32
      %dma_wait3A_131 = arith.constant 0 : i32
      %dma_wait3A_132 = tpu.memref_slice %arg3[%add3A, %dma_wait3A_130, %dma_wait3A_131] : memref<32x126x80xi32, #tpu.memory_space<hbm>> -> memref<1x126x80xi32, #tpu.memory_space<hbm>>
      %dma_wait3A_133 = tpu.memref_squeeze %dma_wait3A_132 : memref<1x126x80xi32, #tpu.memory_space<hbm>> -> memref<126x80xi32, #tpu.memory_space<hbm>>
      tpu.wait_dma2 semaphore(%run_scoped3A : memref<!tpu.dma_semaphore, #tpu.memory_space<semaphore_mem>>) src(%dma_wait3A_133 : memref<126x80xi32, #tpu.memory_space<hbm>>) dst(%dma_wait3A_129 : memref<126x80xi32, #tpu.memory_space<vmem>>)
      tpu.yield
    }) : () -> ()
    %broadcast_in_dim3A_35 = arith.constant 0 : i32
    %broadcast_in_dim3A_36 = vector.broadcast %broadcast_in_dim3A_35 : i32 to vector<16xi32>
    %swap3A = arith.constant 126 : i32
    %swap3A_37 = arith.index_cast %swap3A : i32 to index
    %swap3A_38 = arith.constant 0 : index
    %swap3A_39 = tpu.vector_load %arg6[%swap3A_37, %swap3A_38] {strides = array<i32>} : memref<127x80xi32, #tpu.memory_space<vmem>>, vector<1x16xi32>,
    %swap3A_40 = vector.shape_cast %swap3A_39 : vector<1x16xi32> to vector<16xi32>
    %swap3A_41 = vector.shape_cast %broadcast_in_dim3A_36 : vector<16xi32> to vector<1x16xi32>
    tpu.vector_store %arg6[%swap3A_37, %swap3A_38], %swap3A_41 {strides = array<i32>} : memref<127x80xi32, #tpu.memory_space<vmem>>, vector<1x16xi32>,
    %swap3A_42 = arith.constant 126 : i32
    %swap3A_43 = arith.index_cast %swap3A_42 : i32 to index
    %swap3A_44 = arith.constant 16 : index
    %swap3A_45 = tpu.vector_load %arg6[%swap3A_43, %swap3A_44] {strides = array<i32>} : memref<127x80xi32, #tpu.memory_space<vmem>>, vector<1x16xi32>,
    %swap3A_46 = vector.shape_cast %swap3A_45 : vector<1x16xi32> to vector<16xi32>
    %swap3A_47 = vector.shape_cast %broadcast_in_dim3A_36 : vector<16xi32> to vector<1x16xi32>
    tpu.vector_store %arg6[%swap3A_43, %swap3A_44], %swap3A_47 {strides = array<i32>} : memref<127x80xi32, #tpu.memory_space<vmem>>, vector<1x16xi32>,
    %swap3A_48 = arith.constant 126 : i32
    %swap3A_49 = arith.index_cast %swap3A_48 : i32 to index
    %swap3A_50 = arith.constant 32 : index
    %swap3A_51 = tpu.vector_load %arg6[%swap3A_49, %swap3A_50] {strides = array<i32>} : memref<127x80xi32, #tpu.memory_space<vmem>>, vector<1x16xi32>,
    %swap3A_52 = vector.shape_cast %swap3A_51 : vector<1x16xi32> to vector<16xi32>
    %swap3A_53 = vector.shape_cast %broadcast_in_dim3A_36 : vector<16xi32> to vector<1x16xi32>
    tpu.vector_store %arg6[%swap3A_49, %swap3A_50], %swap3A_53 {strides = array<i32>} : memref<127x80xi32, #tpu.memory_space<vmem>>, vector<1x16xi32>,
    %swap3A_54 = arith.constant 126 : i32
    %swap3A_55 = arith.index_cast %swap3A_54 : i32 to index
    %swap3A_56 = arith.constant 48 : index
    %swap3A_57 = tpu.vector_load %arg6[%swap3A_55, %swap3A_56] {strides = array<i32>} : memref<127x80xi32, #tpu.memory_space<vmem>>, vector<1x16xi32>,
    %swap3A_58 = vector.shape_cast %swap3A_57 : vector<1x16xi32> to vector<16xi32>
    %swap3A_59 = vector.shape_cast %broadcast_in_dim3A_36 : vector<16xi32> to vector<1x16xi32>
    tpu.vector_store %arg6[%swap3A_55, %swap3A_56], %swap3A_59 {strides = array<i32>} : memref<127x80xi32, #tpu.memory_space<vmem>>, vector<1x16xi32>,
    %swap3A_60 = arith.constant 126 : i32
    %swap3A_61 = arith.index_cast %swap3A_60 : i32 to index
    %swap3A_62 = arith.constant 64 : index
    %swap3A_63 = tpu.vector_load %arg6[%swap3A_61, %swap3A_62] {strides = array<i32>} : memref<127x80xi32, #tpu.memory_space<vmem>>, vector<1x16xi32>,
    %swap3A_64 = vector.shape_cast %swap3A_63 : vector<1x16xi32> to vector<16xi32>
    %swap3A_65 = vector.shape_cast %broadcast_in_dim3A_36 : vector<16xi32> to vector<1x16xi32>
    tpu.vector_store %arg6[%swap3A_61, %swap3A_62], %swap3A_65 {strides = array<i32>} : memref<127x80xi32, #tpu.memory_space<vmem>>, vector<1x16xi32>,
    "tpu.region"() ({
      %run_scoped3A = tpu.sem_alloc : memref<!tpu.dma_semaphore, #tpu.memory_space<semaphore_mem>>
      %dma_start3A_106 = arith.constant 0 : i32
      %dma_start3A_107 = arith.constant 0 : i32
      %dma_start3A_108 = tpu.memref_slice %arg4[%add3A, %dma_start3A_106, %dma_start3A_107] : memref<32x126x80xi32, #tpu.memory_space<hbm>> -> memref<1x126x80xi32, #tpu.memory_space<hbm>>
      %dma_start3A_109 = tpu.memref_squeeze %dma_start3A_108 : memref<1x126x80xi32, #tpu.memory_space<hbm>> -> memref<126x80xi32, #tpu.memory_space<hbm>>
      %dma_start3A_110 = arith.constant 0 : i32
      %dma_start3A_111 = arith.constant 0 : i32
      %dma_start3A_112 = tpu.memref_slice %arg4[%add3A, %dma_start3A_110, %dma_start3A_111] : memref<32x126x80xi32, #tpu.memory_space<hbm>> -> memref<1x126x80xi32, #tpu.memory_space<hbm>>
      %dma_start3A_113 = tpu.memref_squeeze %dma_start3A_112 : memref<1x126x80xi32, #tpu.memory_space<hbm>> -> memref<126x80xi32, #tpu.memory_space<hbm>>
      tpu.enqueue_dma source(%dma_start3A_113 : memref<126x80xi32, #tpu.memory_space<hbm>>) target(%arg7 : memref<126x80xi32, #tpu.memory_space<vmem>>) target_semaphore(%run_scoped3A : memref<!tpu.dma_semaphore, #tpu.memory_space<semaphore_mem>>)
      %dma_wait3A_114 = arith.constant 0 : i32
      %dma_wait3A_115 = arith.constant 0 : i32
      %dma_wait3A_116 = tpu.memref_slice %arg4[%add3A, %dma_wait3A_114, %dma_wait3A_115] : memref<32x126x80xi32, #tpu.memory_space<hbm>> -> memref<1x126x80xi32, #tpu.memory_space<hbm>>
      %dma_wait3A_117 = tpu.memref_squeeze %dma_wait3A_116 : memref<1x126x80xi32, #tpu.memory_space<hbm>> -> memref<126x80xi32, #tpu.memory_space<hbm>>
      %dma_wait3A_118 = arith.constant 0 : i32
      %dma_wait3A_119 = arith.constant 0 : i32
      %dma_wait3A_120 = tpu.memref_slice %arg4[%add3A, %dma_wait3A_118, %dma_wait3A_119] : memref<32x126x80xi32, #tpu.memory_space<hbm>> -> memref<1x126x80xi32, #tpu.memory_space<hbm>>
      %dma_wait3A_121 = tpu.memref_squeeze %dma_wait3A_120 : memref<1x126x80xi32, #tpu.memory_space<hbm>> -> memref<126x80xi32, #tpu.memory_space<hbm>>
      tpu.wait_dma2 semaphore(%run_scoped3A : memref<!tpu.dma_semaphore, #tpu.memory_space<semaphore_mem>>) src(%dma_wait3A_121 : memref<126x80xi32, #tpu.memory_space<hbm>>) dst(%arg7 : memref<126x80xi32, #tpu.memory_space<vmem>>)
      tpu.yield
    }) : () -> ()
    %dma_start3A = arith.constant 0 : i32
    %dma_start3A_66 = arith.constant 0 : i32
    %dma_start3A_67 = tpu.memref_slice %arg7[%dma_start3A, %dma_start3A_66] : memref<126x80xi32, #tpu.memory_space<vmem>> -> memref<1x80xi32, #tpu.memory_space<vmem>>
    %dma_start3A_68 = tpu.memref_squeeze %dma_start3A_67 : memref<1x80xi32, #tpu.memory_space<vmem>> -> memref<80xi32, #tpu.memory_space<vmem>>
    %dma_start3A_69 = arith.constant 0 : i32
    %dma_start3A_70 = arith.constant 0 : i32
    %dma_start3A_71 = tpu.memref_slice %arg10[%dma_start3A_69, %dma_start3A_70] : memref<10240x64xf32, #tpu.memory_space<vmem_shared>> -> memref<10240x64xf32, #tpu.memory_space<vmem_shared>>
    tpu.enqueue_indirect_dma source(%arg9 : memref<80x64xf32, #tpu.memory_space<vmem>>) target(%dma_start3A_71 : memref<10240x64xf32, #tpu.memory_space<vmem_shared>>) offsets(%dma_start3A_68 : memref<80xi32, #tpu.memory_space<vmem>>) semaphore(%arg14 : memref<!tpu.dma_semaphore, #tpu.memory_space<semaphore_mem>>) {add = true}
    %dma_start3A_72 = arith.constant 0 : i32
    %dma_start3A_73 = arith.constant 0 : i32
    %dma_start3A_74 = tpu.memref_slice %arg6[%dma_start3A_72, %dma_start3A_73] : memref<127x80xi32, #tpu.memory_space<vmem>> -> memref<1x80xi32, #tpu.memory_space<vmem>>
    %dma_start3A_75 = tpu.memref_squeeze %dma_start3A_74 : memref<1x80xi32, #tpu.memory_space<vmem>> -> memref<80xi32, #tpu.memory_space<vmem>>
    %dma_start3A_76 = arith.constant 0 : i32
    %dma_start3A_77 = arith.constant 0 : i32
    %dma_start3A_78 = tpu.memref_slice %arg2[%dma_start3A_76, %dma_start3A_77] : memref<10000x64xf32, #tpu.memory_space<hbm>> -> memref<10000x64xf32, #tpu.memory_space<hbm>>
    tpu.enqueue_indirect_dma source(%dma_start3A_78 : memref<10000x64xf32, #tpu.memory_space<hbm>>) target(%arg8 : memref<80x64xf32, #tpu.memory_space<vmem>>) offsets(%dma_start3A_75 : memref<80xi32, #tpu.memory_space<vmem>>) semaphore(%arg11 : memref<!tpu.dma_semaphore, #tpu.memory_space<semaphore_mem>>)
    %eq3A = arith.constant 0 : i32
    %eq3A_79 = arith.cmpi eq, %arg0, %eq3A : i32
    %jit3A = arith.constant 63 : i32
    %jit3A_80 = arith.constant 62 : i32
    %select_n3A = arith.select %eq3A_79, %jit3A, %jit3A_80 : i32
    %while3A = arith.constant 0 : i32
    %while3A_81 = arith.constant 0 : i32
    %while3A_82 = arith.subi %select_n3A, %while3A : i32
    %while3A_83 = arith.addi %while3A, %while3A_82 : i32
    %while3A_84 = arith.constant 1 : i32
    %while3A_85 = arith.divsi %while3A_82, %while3A_84 : i32
    %while3A_86 = arith.muli %while3A_85, %while3A_84 : i32
    %while3A_87 = arith.addi %while3A, %while3A_86 : i32
    %while3A_88 = arith.constant 1 : i32
    %while3A_89 = scf.for %while3A_106 = %while3A to %while3A_87 step %while3A_88 iter_args(%while3A_107 = %while3A_81) -> (i32)  : i32 {
      %mul3A_108 = arith.constant 2 : i32
      %mul3A_109 = arith.muli %mul3A_108, %while3A_106 : i32
      %dma_wait3A_110 = arith.constant 0 : i32
      %dma_wait3A_111 = arith.constant 0 : i32
      %dma_wait3A_112 = tpu.memref_slice %arg7[%dma_wait3A_110, %dma_wait3A_111] : memref<126x80xi32, #tpu.memory_space<vmem>> -> memref<1x80xi32, #tpu.memory_space<vmem>>
      %dma_wait3A_113 = tpu.memref_squeeze %dma_wait3A_112 : memref<1x80xi32, #tpu.memory_space<vmem>> -> memref<80xi32, #tpu.memory_space<vmem>>
      %dma_wait3A_114 = arith.constant 0 : i32
      %dma_wait3A_115 = arith.constant 0 : i32
      %dma_wait3A_116 = tpu.memref_slice %arg10[%dma_wait3A_114, %dma_wait3A_115] : memref<10240x64xf32, #tpu.memory_space<vmem_shared>> -> memref<10240x64xf32, #tpu.memory_space<vmem_shared>>
      tpu.wait_indirect_dma semaphore(%arg14 : memref<!tpu.dma_semaphore, #tpu.memory_space<semaphore_mem>>) src(%arg9 : memref<80x64xf32, #tpu.memory_space<vmem>>) dst(%dma_wait3A_116 : memref<10240x64xf32, #tpu.memory_space<vmem_shared>>)
      %add3A_117 = arith.constant 1 : i32
      %add3A_118 = arith.addi %mul3A_109, %add3A_117 : i32
      %dma_start3A_119 = arith.constant 0 : i32
      %dma_start3A_120 = tpu.memref_slice %arg6[%add3A_118, %dma_start3A_119] : memref<127x80xi32, #tpu.memory_space<vmem>> -> memref<1x80xi32, #tpu.memory_space<vmem>>
      %dma_start3A_121 = tpu.memref_squeeze %dma_start3A_120 : memref<1x80xi32, #tpu.memory_space<vmem>> -> memref<80xi32, #tpu.memory_space<vmem>>
      %dma_start3A_122 = arith.constant 0 : i32
      %dma_start3A_123 = arith.constant 0 : i32
      %dma_start3A_124 = tpu.memref_slice %arg2[%dma_start3A_122, %dma_start3A_123] : memref<10000x64xf32, #tpu.memory_space<hbm>> -> memref<10000x64xf32, #tpu.memory_space<hbm>>
      tpu.enqueue_indirect_dma source(%dma_start3A_124 : memref<10000x64xf32, #tpu.memory_space<hbm>>) target(%arg9 : memref<80x64xf32, #tpu.memory_space<vmem>>) offsets(%dma_start3A_121 : memref<80xi32, #tpu.memory_space<vmem>>) semaphore(%arg12 : memref<!tpu.dma_semaphore, #tpu.memory_space<semaphore_mem>>)
      %dma_wait3A_125 = arith.constant 0 : i32
      %dma_wait3A_126 = arith.constant 0 : i32
      %dma_wait3A_127 = tpu.memref_slice %arg6[%dma_wait3A_125, %dma_wait3A_126] : memref<127x80xi32, #tpu.memory_space<vmem>> -> memref<1x80xi32, #tpu.memory_space<vmem>>
      %dma_wait3A_128 = tpu.memref_squeeze %dma_wait3A_127 : memref<1x80xi32, #tpu.memory_space<vmem>> -> memref<80xi32, #tpu.memory_space<vmem>>
      %dma_wait3A_129 = arith.constant 0 : i32
      %dma_wait3A_130 = arith.constant 0 : i32
      %dma_wait3A_131 = tpu.memref_slice %arg2[%dma_wait3A_129, %dma_wait3A_130] : memref<10000x64xf32, #tpu.memory_space<hbm>> -> memref<10000x64xf32, #tpu.memory_space<hbm>>
      tpu.wait_indirect_dma semaphore(%arg11 : memref<!tpu.dma_semaphore, #tpu.memory_space<semaphore_mem>>) src(%dma_wait3A_131 : memref<10000x64xf32, #tpu.memory_space<hbm>>) dst(%arg8 : memref<80x64xf32, #tpu.memory_space<vmem>>)
      %dma_start3A_132 = arith.constant 0 : i32
      %dma_start3A_133 = tpu.memref_slice %arg7[%mul3A_109, %dma_start3A_132] : memref<126x80xi32, #tpu.memory_space<vmem>> -> memref<1x80xi32, #tpu.memory_space<vmem>>
      %dma_start3A_134 = tpu.memref_squeeze %dma_start3A_133 : memref<1x80xi32, #tpu.memory_space<vmem>> -> memref<80xi32, #tpu.memory_space<vmem>>
      %dma_start3A_135 = arith.constant 0 : i32
      %dma_start3A_136 = arith.constant 0 : i32
      %dma_start3A_137 = tpu.memref_slice %arg10[%dma_start3A_135, %dma_start3A_136] : memref<10240x64xf32, #tpu.memory_space<vmem_shared>> -> memref<10240x64xf32, #tpu.memory_space<vmem_shared>>
      tpu.enqueue_indirect_dma source(%arg8 : memref<80x64xf32, #tpu.memory_space<vmem>>) target(%dma_start3A_137 : memref<10240x64xf32, #tpu.memory_space<vmem_shared>>) offsets(%dma_start3A_134 : memref<80xi32, #tpu.memory_space<vmem>>) semaphore(%arg13 : memref<!tpu.dma_semaphore, #tpu.memory_space<semaphore_mem>>) {add = true}
      %dma_wait3A_138 = arith.constant 0 : i32
      %dma_wait3A_139 = arith.constant 0 : i32
      %dma_wait3A_140 = tpu.memref_slice %arg7[%dma_wait3A_138, %dma_wait3A_139] : memref<126x80xi32, #tpu.memory_space<vmem>> -> memref<1x80xi32, #tpu.memory_space<vmem>>
      %dma_wait3A_141 = tpu.memref_squeeze %dma_wait3A_140 : memref<1x80xi32, #tpu.memory_space<vmem>> -> memref<80xi32, #tpu.memory_space<vmem>>
      %dma_wait3A_142 = arith.constant 0 : i32
      %dma_wait3A_143 = arith.constant 0 : i32
      %dma_wait3A_144 = tpu.memref_slice %arg10[%dma_wait3A_142, %dma_wait3A_143] : memref<10240x64xf32, #tpu.memory_space<vmem_shared>> -> memref<10240x64xf32, #tpu.memory_space<vmem_shared>>
      tpu.wait_indirect_dma semaphore(%arg13 : memref<!tpu.dma_semaphore, #tpu.memory_space<semaphore_mem>>) src(%arg8 : memref<80x64xf32, #tpu.memory_space<vmem>>) dst(%dma_wait3A_144 : memref<10240x64xf32, #tpu.memory_space<vmem_shared>>)
      %add3A_145 = arith.constant 2 : i32
      %add3A_146 = arith.addi %mul3A_109, %add3A_145 : i32
      %dma_start3A_147 = arith.constant 0 : i32
      %dma_start3A_148 = tpu.memref_slice %arg6[%add3A_146, %dma_start3A_147] : memref<127x80xi32, #tpu.memory_space<vmem>> -> memref<1x80xi32, #tpu.memory_space<vmem>>
      %dma_start3A_149 = tpu.memref_squeeze %dma_start3A_148 : memref<1x80xi32, #tpu.memory_space<vmem>> -> memref<80xi32, #tpu.memory_space<vmem>>
      %dma_start3A_150 = arith.constant 0 : i32
      %dma_start3A_151 = arith.constant 0 : i32
      %dma_start3A_152 = tpu.memref_slice %arg2[%dma_start3A_150, %dma_start3A_151] : memref<10000x64xf32, #tpu.memory_space<hbm>> -> memref<10000x64xf32, #tpu.memory_space<hbm>>
      tpu.enqueue_indirect_dma source(%dma_start3A_152 : memref<10000x64xf32, #tpu.memory_space<hbm>>) target(%arg8 : memref<80x64xf32, #tpu.memory_space<vmem>>) offsets(%dma_start3A_149 : memref<80xi32, #tpu.memory_space<vmem>>) semaphore(%arg11 : memref<!tpu.dma_semaphore, #tpu.memory_space<semaphore_mem>>)
      %dma_wait3A_153 = arith.constant 0 : i32
      %dma_wait3A_154 = arith.constant 0 : i32
      %dma_wait3A_155 = tpu.memref_slice %arg6[%dma_wait3A_153, %dma_wait3A_154] : memref<127x80xi32, #tpu.memory_space<vmem>> -> memref<1x80xi32, #tpu.memory_space<vmem>>
      %dma_wait3A_156 = tpu.memref_squeeze %dma_wait3A_155 : memref<1x80xi32, #tpu.memory_space<vmem>> -> memref<80xi32, #tpu.memory_space<vmem>>
      %dma_wait3A_157 = arith.constant 0 : i32
      %dma_wait3A_158 = arith.constant 0 : i32
      %dma_wait3A_159 = tpu.memref_slice %arg2[%dma_wait3A_157, %dma_wait3A_158] : memref<10000x64xf32, #tpu.memory_space<hbm>> -> memref<10000x64xf32, #tpu.memory_space<hbm>>
      tpu.wait_indirect_dma semaphore(%arg12 : memref<!tpu.dma_semaphore, #tpu.memory_space<semaphore_mem>>) src(%dma_wait3A_159 : memref<10000x64xf32, #tpu.memory_space<hbm>>) dst(%arg9 : memref<80x64xf32, #tpu.memory_space<vmem>>)
      %add3A_160 = arith.constant 1 : i32
      %add3A_161 = arith.addi %mul3A_109, %add3A_160 : i32
      %dma_start3A_162 = arith.constant 0 : i32
      %dma_start3A_163 = tpu.memref_slice %arg7[%add3A_161, %dma_start3A_162] : memref<126x80xi32, #tpu.memory_space<vmem>> -> memref<1x80xi32, #tpu.memory_space<vmem>>
      %dma_start3A_164 = tpu.memref_squeeze %dma_start3A_163 : memref<1x80xi32, #tpu.memory_space<vmem>> -> memref<80xi32, #tpu.memory_space<vmem>>
      %dma_start3A_165 = arith.constant 0 : i32
      %dma_start3A_166 = arith.constant 0 : i32
      %dma_start3A_167 = tpu.memref_slice %arg10[%dma_start3A_165, %dma_start3A_166] : memref<10240x64xf32, #tpu.memory_space<vmem_shared>> -> memref<10240x64xf32, #tpu.memory_space<vmem_shared>>
      tpu.enqueue_indirect_dma source(%arg9 : memref<80x64xf32, #tpu.memory_space<vmem>>) target(%dma_start3A_167 : memref<10240x64xf32, #tpu.memory_space<vmem_shared>>) offsets(%dma_start3A_164 : memref<80xi32, #tpu.memory_space<vmem>>) semaphore(%arg14 : memref<!tpu.dma_semaphore, #tpu.memory_space<semaphore_mem>>) {add = true}
      %while3A_168 = arith.constant 0 : i32
      scf.yield %while3A_168 : i32
    }
    %while3A_90 = arith.constant 1 : i32
    %while3A_91 = scf.for %while3A_106 = %while3A_87 to %while3A_83 step %while3A_90 iter_args(%while3A_107 = %while3A_89) -> (i32)  : i32 {
      %mul3A_108 = arith.constant 2 : i32
      %mul3A_109 = arith.muli %mul3A_108, %while3A_106 : i32
      %dma_wait3A_110 = arith.constant 0 : i32
      %dma_wait3A_111 = arith.constant 0 : i32
      %dma_wait3A_112 = tpu.memref_slice %arg7[%dma_wait3A_110, %dma_wait3A_111] : memref<126x80xi32, #tpu.memory_space<vmem>> -> memref<1x80xi32, #tpu.memory_space<vmem>>
      %dma_wait3A_113 = tpu.memref_squeeze %dma_wait3A_112 : memref<1x80xi32, #tpu.memory_space<vmem>> -> memref<80xi32, #tpu.memory_space<vmem>>
      %dma_wait3A_114 = arith.constant 0 : i32
      %dma_wait3A_115 = arith.constant 0 : i32
      %dma_wait3A_116 = tpu.memref_slice %arg10[%dma_wait3A_114, %dma_wait3A_115] : memref<10240x64xf32, #tpu.memory_space<vmem_shared>> -> memref<10240x64xf32, #tpu.memory_space<vmem_shared>>
      tpu.wait_indirect_dma semaphore(%arg14 : memref<!tpu.dma_semaphore, #tpu.memory_space<semaphore_mem>>) src(%arg9 : memref<80x64xf32, #tpu.memory_space<vmem>>) dst(%dma_wait3A_116 : memref<10240x64xf32, #tpu.memory_space<vmem_shared>>)
      %add3A_117 = arith.constant 1 : i32
      %add3A_118 = arith.addi %mul3A_109, %add3A_117 : i32
      %dma_start3A_119 = arith.constant 0 : i32
      %dma_start3A_120 = tpu.memref_slice %arg6[%add3A_118, %dma_start3A_119] : memref<127x80xi32, #tpu.memory_space<vmem>> -> memref<1x80xi32, #tpu.memory_space<vmem>>
      %dma_start3A_121 = tpu.memref_squeeze %dma_start3A_120 : memref<1x80xi32, #tpu.memory_space<vmem>> -> memref<80xi32, #tpu.memory_space<vmem>>
      %dma_start3A_122 = arith.constant 0 : i32
      %dma_start3A_123 = arith.constant 0 : i32
      %dma_start3A_124 = tpu.memref_slice %arg2[%dma_start3A_122, %dma_start3A_123] : memref<10000x64xf32, #tpu.memory_space<hbm>> -> memref<10000x64xf32, #tpu.memory_space<hbm>>
      tpu.enqueue_indirect_dma source(%dma_start3A_124 : memref<10000x64xf32, #tpu.memory_space<hbm>>) target(%arg9 : memref<80x64xf32, #tpu.memory_space<vmem>>) offsets(%dma_start3A_121 : memref<80xi32, #tpu.memory_space<vmem>>) semaphore(%arg12 : memref<!tpu.dma_semaphore, #tpu.memory_space<semaphore_mem>>)
      %dma_wait3A_125 = arith.constant 0 : i32
      %dma_wait3A_126 = arith.constant 0 : i32
      %dma_wait3A_127 = tpu.memref_slice %arg6[%dma_wait3A_125, %dma_wait3A_126] : memref<127x80xi32, #tpu.memory_space<vmem>> -> memref<1x80xi32, #tpu.memory_space<vmem>>
      %dma_wait3A_128 = tpu.memref_squeeze %dma_wait3A_127 : memref<1x80xi32, #tpu.memory_space<vmem>> -> memref<80xi32, #tpu.memory_space<vmem>>
      %dma_wait3A_129 = arith.constant 0 : i32
      %dma_wait3A_130 = arith.constant 0 : i32
      %dma_wait3A_131 = tpu.memref_slice %arg2[%dma_wait3A_129, %dma_wait3A_130] : memref<10000x64xf32, #tpu.memory_space<hbm>> -> memref<10000x64xf32, #tpu.memory_space<hbm>>
      tpu.wait_indirect_dma semaphore(%arg11 : memref<!tpu.dma_semaphore, #tpu.memory_space<semaphore_mem>>) src(%dma_wait3A_131 : memref<10000x64xf32, #tpu.memory_space<hbm>>) dst(%arg8 : memref<80x64xf32, #tpu.memory_space<vmem>>)
      %dma_start3A_132 = arith.constant 0 : i32
      %dma_start3A_133 = tpu.memref_slice %arg7[%mul3A_109, %dma_start3A_132] : memref<126x80xi32, #tpu.memory_space<vmem>> -> memref<1x80xi32, #tpu.memory_space<vmem>>
      %dma_start3A_134 = tpu.memref_squeeze %dma_start3A_133 : memref<1x80xi32, #tpu.memory_space<vmem>> -> memref<80xi32, #tpu.memory_space<vmem>>
      %dma_start3A_135 = arith.constant 0 : i32
      %dma_start3A_136 = arith.constant 0 : i32
      %dma_start3A_137 = tpu.memref_slice %arg10[%dma_start3A_135, %dma_start3A_136] : memref<10240x64xf32, #tpu.memory_space<vmem_shared>> -> memref<10240x64xf32, #tpu.memory_space<vmem_shared>>
      tpu.enqueue_indirect_dma source(%arg8 : memref<80x64xf32, #tpu.memory_space<vmem>>) target(%dma_start3A_137 : memref<10240x64xf32, #tpu.memory_space<vmem_shared>>) offsets(%dma_start3A_134 : memref<80xi32, #tpu.memory_space<vmem>>) semaphore(%arg13 : memref<!tpu.dma_semaphore, #tpu.memory_space<semaphore_mem>>) {add = true}
      %dma_wait3A_138 = arith.constant 0 : i32
      %dma_wait3A_139 = arith.constant 0 : i32
      %dma_wait3A_140 = tpu.memref_slice %arg7[%dma_wait3A_138, %dma_wait3A_139] : memref<126x80xi32, #tpu.memory_space<vmem>> -> memref<1x80xi32, #tpu.memory_space<vmem>>
      %dma_wait3A_141 = tpu.memref_squeeze %dma_wait3A_140 : memref<1x80xi32, #tpu.memory_space<vmem>> -> memref<80xi32, #tpu.memory_space<vmem>>
      %dma_wait3A_142 = arith.constant 0 : i32
      %dma_wait3A_143 = arith.constant 0 : i32
      %dma_wait3A_144 = tpu.memref_slice %arg10[%dma_wait3A_142, %dma_wait3A_143] : memref<10240x64xf32, #tpu.memory_space<vmem_shared>> -> memref<10240x64xf32, #tpu.memory_space<vmem_shared>>
      tpu.wait_indirect_dma semaphore(%arg13 : memref<!tpu.dma_semaphore, #tpu.memory_space<semaphore_mem>>) src(%arg8 : memref<80x64xf32, #tpu.memory_space<vmem>>) dst(%dma_wait3A_144 : memref<10240x64xf32, #tpu.memory_space<vmem_shared>>)
      %add3A_145 = arith.constant 2 : i32
      %add3A_146 = arith.addi %mul3A_109, %add3A_145 : i32
      %dma_start3A_147 = arith.constant 0 : i32
      %dma_start3A_148 = tpu.memref_slice %arg6[%add3A_146, %dma_start3A_147] : memref<127x80xi32, #tpu.memory_space<vmem>> -> memref<1x80xi32, #tpu.memory_space<vmem>>
      %dma_start3A_149 = tpu.memref_squeeze %dma_start3A_148 : memref<1x80xi32, #tpu.memory_space<vmem>> -> memref<80xi32, #tpu.memory_space<vmem>>
      %dma_start3A_150 = arith.constant 0 : i32
      %dma_start3A_151 = arith.constant 0 : i32
      %dma_start3A_152 = tpu.memref_slice %arg2[%dma_start3A_150, %dma_start3A_151] : memref<10000x64xf32, #tpu.memory_space<hbm>> -> memref<10000x64xf32, #tpu.memory_space<hbm>>
      tpu.enqueue_indirect_dma source(%dma_start3A_152 : memref<10000x64xf32, #tpu.memory_space<hbm>>) target(%arg8 : memref<80x64xf32, #tpu.memory_space<vmem>>) offsets(%dma_start3A_149 : memref<80xi32, #tpu.memory_space<vmem>>) semaphore(%arg11 : memref<!tpu.dma_semaphore, #tpu.memory_space<semaphore_mem>>)
      %dma_wait3A_153 = arith.constant 0 : i32
      %dma_wait3A_154 = arith.constant 0 : i32
      %dma_wait3A_155 = tpu.memref_slice %arg6[%dma_wait3A_153, %dma_wait3A_154] : memref<127x80xi32, #tpu.memory_space<vmem>> -> memref<1x80xi32, #tpu.memory_space<vmem>>
      %dma_wait3A_156 = tpu.memref_squeeze %dma_wait3A_155 : memref<1x80xi32, #tpu.memory_space<vmem>> -> memref<80xi32, #tpu.memory_space<vmem>>
      %dma_wait3A_157 = arith.constant 0 : i32
      %dma_wait3A_158 = arith.constant 0 : i32
      %dma_wait3A_159 = tpu.memref_slice %arg2[%dma_wait3A_157, %dma_wait3A_158] : memref<10000x64xf32, #tpu.memory_space<hbm>> -> memref<10000x64xf32, #tpu.memory_space<hbm>>
      tpu.wait_indirect_dma semaphore(%arg12 : memref<!tpu.dma_semaphore, #tpu.memory_space<semaphore_mem>>) src(%dma_wait3A_159 : memref<10000x64xf32, #tpu.memory_space<hbm>>) dst(%arg9 : memref<80x64xf32, #tpu.memory_space<vmem>>)
      %add3A_160 = arith.constant 1 : i32
      %add3A_161 = arith.addi %mul3A_109, %add3A_160 : i32
      %dma_start3A_162 = arith.constant 0 : i32
      %dma_start3A_163 = tpu.memref_slice %arg7[%add3A_161, %dma_start3A_162] : memref<126x80xi32, #tpu.memory_space<vmem>> -> memref<1x80xi32, #tpu.memory_space<vmem>>
      %dma_start3A_164 = tpu.memref_squeeze %dma_start3A_163 : memref<1x80xi32, #tpu.memory_space<vmem>> -> memref<80xi32, #tpu.memory_space<vmem>>
      %dma_start3A_165 = arith.constant 0 : i32
      %dma_start3A_166 = arith.constant 0 : i32
      %dma_start3A_167 = tpu.memref_slice %arg10[%dma_start3A_165, %dma_start3A_166] : memref<10240x64xf32, #tpu.memory_space<vmem_shared>> -> memref<10240x64xf32, #tpu.memory_space<vmem_shared>>
      tpu.enqueue_indirect_dma source(%arg9 : memref<80x64xf32, #tpu.memory_space<vmem>>) target(%dma_start3A_167 : memref<10240x64xf32, #tpu.memory_space<vmem_shared>>) offsets(%dma_start3A_164 : memref<80xi32, #tpu.memory_space<vmem>>) semaphore(%arg14 : memref<!tpu.dma_semaphore, #tpu.memory_space<semaphore_mem>>) {add = true}
      %while3A_168 = arith.constant 0 : i32
      scf.yield %while3A_168 : i32
    }
    %dma_wait3A = arith.constant 0 : i32
    %dma_wait3A_92 = arith.constant 0 : i32
    %dma_wait3A_93 = tpu.memref_slice %arg7[%dma_wait3A, %dma_wait3A_92] : memref<126x80xi32, #tpu.memory_space<vmem>> -> memref<1x80xi32, #tpu.memory_space<vmem>>
    %dma_wait3A_94 = tpu.memref_squeeze %dma_wait3A_93 : memref<1x80xi32, #tpu.memory_space<vmem>> -> memref<80xi32, #tpu.memory_space<vmem>>
    %dma_wait3A_95 = arith.constant 0 : i32
    %dma_wait3A_96 = arith.constant 0 : i32
    %dma_wait3A_97 = tpu.memref_slice %arg10[%dma_wait3A_95, %dma_wait3A_96] : memref<10240x64xf32, #tpu.memory_space<vmem_shared>> -> memref<10240x64xf32, #tpu.memory_space<vmem_shared>>
    tpu.wait_indirect_dma semaphore(%arg14 : memref<!tpu.dma_semaphore, #tpu.memory_space<semaphore_mem>>) src(%arg9 : memref<80x64xf32, #tpu.memory_space<vmem>>) dst(%dma_wait3A_97 : memref<10240x64xf32, #tpu.memory_space<vmem_shared>>)
    %dma_wait3A_98 = arith.constant 0 : i32
    %dma_wait3A_99 = arith.constant 0 : i32
    %dma_wait3A_100 = tpu.memref_slice %arg6[%dma_wait3A_98, %dma_wait3A_99] : memref<127x80xi32, #tpu.memory_space<vmem>> -> memref<1x80xi32, #tpu.memory_space<vmem>>
    %dma_wait3A_101 = tpu.memref_squeeze %dma_wait3A_100 : memref<1x80xi32, #tpu.memory_space<vmem>> -> memref<80xi32, #tpu.memory_space<vmem>>
    %dma_wait3A_102 = arith.constant 0 : i32
    %dma_wait3A_103 = arith.constant 0 : i32
    %dma_wait3A_104 = tpu.memref_slice %arg2[%dma_wait3A_102, %dma_wait3A_103] : memref<10000x64xf32, #tpu.memory_space<hbm>> -> memref<10000x64xf32, #tpu.memory_space<hbm>>
    tpu.wait_indirect_dma semaphore(%arg11 : memref<!tpu.dma_semaphore, #tpu.memory_space<semaphore_mem>>) src(%dma_wait3A_104 : memref<10000x64xf32, #tpu.memory_space<hbm>>) dst(%arg8 : memref<80x64xf32, #tpu.memory_space<vmem>>)
    %barrier3A_105 = arith.constant 0 : index
    tpu.barrier barrier_id(%barrier3A_105)
    "tpu.region"() ({
      %run_scoped3A = tpu.sem_alloc : memref<!tpu.dma_semaphore, #tpu.memory_space<semaphore_mem>>
      %dma_start3A_106 = arith.constant 0 : i32
      %dma_start3A_107 = tpu.memref_slice %arg5[%arg0, %mul3A_2, %dma_start3A_106] : memref<2x10240x64xf32, #tpu.memory_space<hbm>> -> memref<1x640x64xf32, #tpu.memory_space<hbm>>
      %dma_start3A_108 = tpu.memref_squeeze %dma_start3A_107 : memref<1x640x64xf32, #tpu.memory_space<hbm>> -> memref<640x64xf32, #tpu.memory_space<hbm>>
      %dma_start3A_109 = arith.constant 0 : i32
      %dma_start3A_110 = tpu.memref_slice %arg10[%mul3A_2, %dma_start3A_109] : memref<10240x64xf32, #tpu.memory_space<vmem_shared>> -> memref<640x64xf32, #tpu.memory_space<vmem_shared>>
      tpu.enqueue_dma source(%dma_start3A_110 : memref<640x64xf32, #tpu.memory_space<vmem_shared>>) target(%dma_start3A_108 : memref<640x64xf32, #tpu.memory_space<hbm>>) target_semaphore(%run_scoped3A : memref<!tpu.dma_semaphore, #tpu.memory_space<semaphore_mem>>)
      %dma_wait3A_111 = arith.constant 0 : i32
      %dma_wait3A_112 = tpu.memref_slice %arg5[%arg0, %mul3A_2, %dma_wait3A_111] : memref<2x10240x64xf32, #tpu.memory_space<hbm>> -> memref<1x640x64xf32, #tpu.memory_space<hbm>>
      %dma_wait3A_113 = tpu.memref_squeeze %dma_wait3A_112 : memref<1x640x64xf32, #tpu.memory_space<hbm>> -> memref<640x64xf32, #tpu.memory_space<hbm>>
      %dma_wait3A_114 = arith.constant 0 : i32
      %dma_wait3A_115 = tpu.memref_slice %arg10[%mul3A_2, %dma_wait3A_114] : memref<10240x64xf32, #tpu.memory_space<vmem_shared>> -> memref<640x64xf32, #tpu.memory_space<vmem_shared>>
      tpu.wait_dma2 semaphore(%run_scoped3A : memref<!tpu.dma_semaphore, #tpu.memory_space<semaphore_mem>>) src(%dma_wait3A_115 : memref<640x64xf32, #tpu.memory_space<vmem_shared>>) dst(%dma_wait3A_113 : memref<640x64xf32, #tpu.memory_space<hbm>>)
      tpu.yield
    }) : () -> ()
    return
  }
}

module attributes {stable_mosaic.version = 14 : i64} {
  func.func @_tc1_body(%arg0: i32, %arg1: memref<1000x128xf32, #tpu.memory_space<vmem>>, %arg2: memref<2x1000x128xf32, #tpu.memory_space<vmem>>, %arg3: memref<1000x32xf32, #tpu.memory_space<vmem>>, %arg4: memref<128x128xf32, #tpu.memory_space<vmem>>, %arg5: memref<128x128xf32, #tpu.memory_space<vmem>>, %arg6: memref<1x128xf32, #tpu.memory_space<vmem>>, %arg7: memref<1x128xf32, #tpu.memory_space<vmem>>, %arg8: memref<1x128xf32, #tpu.memory_space<vmem>>, %arg9: memref<128x64xf32, #tpu.memory_space<vmem>>, %arg10: memref<128x64xf32, #tpu.memory_space<vmem>>, %arg11: memref<1000x64xf32, #tpu.memory_space<vmem>>, %arg12: memref<1000x64xf32, #tpu.memory_space<vmem>>) attributes {dimension_semantics = [#tpu.dimension_semantics<arbitrary>], iteration_bounds = array<i64: 10>, scalar_prefetch = 0 : i64, scratch_operands = 0 : i64, tpu.core_type = #tpu.core_type<tc>, window_params = [{transform_indices = @transform_0, window_bounds = array<i64: 1000, 128>}, {transform_indices = @transform_1, window_bounds = array<i64: 2, 1000, 128>}, {transform_indices = @transform_2, window_bounds = array<i64: 1000, 32>}, {pipeline_mode = #tpu.pipeline_mode<synchronous>, transform_indices = @transform_3, window_bounds = array<i64: 128, 128>}, {pipeline_mode = #tpu.pipeline_mode<synchronous>, transform_indices = @transform_4, window_bounds = array<i64: 128, 128>}, {pipeline_mode = #tpu.pipeline_mode<synchronous>, transform_indices = @transform_5, window_bounds = array<i64: 1, 128>}, {pipeline_mode = #tpu.pipeline_mode<synchronous>, transform_indices = @transform_6, window_bounds = array<i64: 1, 128>}, {pipeline_mode = #tpu.pipeline_mode<synchronous>, transform_indices = @transform_7, window_bounds = array<i64: 1, 128>}, {pipeline_mode = #tpu.pipeline_mode<synchronous>, transform_indices = @transform_8, window_bounds = array<i64: 128, 64>}, {pipeline_mode = #tpu.pipeline_mode<synchronous>, transform_indices = @transform_9, window_bounds = array<i64: 128, 64>}, {transform_indices = @transform_10, window_bounds = array<i64: 1000, 64>}, {transform_indices = @transform_11, window_bounds = array<i64: 1000, 64>}]} {
    %get3A = arith.constant 0 : index
    %get3A_0 = arith.constant 0 : index
    %get3A_1 = arith.constant 0 : index
    %get3A_2 = vector.load %arg2[%get3A, %get3A_0, %get3A_1] : memref<2x1000x128xf32, #tpu.memory_space<vmem>>, vector<1x1000x128xf32>
    %get3A_3 = vector.shape_cast %get3A_2 : vector<1x1000x128xf32> to vector<1000x128xf32>
    %get3A_4 = arith.constant 1 : index
    %get3A_5 = arith.constant 0 : index
    %get3A_6 = arith.constant 0 : index
    %get3A_7 = vector.load %arg2[%get3A_4, %get3A_5, %get3A_6] : memref<2x1000x128xf32, #tpu.memory_space<vmem>>, vector<1x1000x128xf32>
    %get3A_8 = vector.shape_cast %get3A_7 : vector<1x1000x128xf32> to vector<1000x128xf32>
    %add3A = arith.addf %get3A_3, %get3A_8 : vector<1000x128xf32>
    %get3A_9 = arith.constant 0 : index
    %get3A_10 = arith.constant 0 : index
    %get3A_11 = vector.load %arg3[%get3A_9, %get3A_10] : memref<1000x32xf32, #tpu.memory_space<vmem>>, vector<1000x32xf32>
    %reduce_sum3A = arith.constant dense<0.000000e+00> : vector<1000xf32>
    %reduce_sum3A_12 = vector.multi_reduction <add>, %get3A_11, %reduce_sum3A [1] : vector<1000x32xf32> to vector<1000xf32>
    %max3A = arith.constant 1.000000e+00 : f32
    %max3A_13 = vector.broadcast %max3A : f32 to vector<1000xf32>
    %max3A_14 = arith.maximumf %reduce_sum3A_12, %max3A_13 : vector<1000xf32>
    %broadcast_in_dim3A = vector.shape_cast %max3A_14 : vector<1000xf32> to vector<1000x1xf32>
    %div3A = vector.broadcast %broadcast_in_dim3A : vector<1000x1xf32> to vector<1000x128xf32>
    %div3A_15 = arith.divf %add3A, %div3A : vector<1000x128xf32>
    %get3A_16 = arith.constant 0 : index
    %get3A_17 = arith.constant 0 : index
    %get3A_18 = vector.load %arg4[%get3A_16, %get3A_17] : memref<128x128xf32, #tpu.memory_space<vmem>>, vector<128x128xf32>
    %dot_general3A = arith.constant dense<0.000000e+00> : vector<1000x128xf32>
    %dot_general3A_19 = tpu.matmul %div3A_15, %get3A_18, %dot_general3A {dimension_numbers = #tpu.dot_dimension_numbers<[1], [0], [0], [1], [0, 0, 1, 1], [], []>, transpose_lhs_hint = false} : vector<1000x128xf32>, vector<128x128xf32>, vector<1000x128xf32> -> vector<1000x128xf32>
    %get3A_20 = arith.constant 0 : index
    %get3A_21 = arith.constant 0 : index
    %get3A_22 = vector.load %arg6[%get3A_20, %get3A_21] : memref<1x128xf32, #tpu.memory_space<vmem>>, vector<1x128xf32>
    %add3A_23 = vector.broadcast %get3A_22 : vector<1x128xf32> to vector<1000x128xf32>
    %add3A_24 = arith.addf %dot_general3A_19, %add3A_23 : vector<1000x128xf32>
    %get3A_25 = arith.constant 0 : index
    %get3A_26 = arith.constant 0 : index
    %get3A_27 = vector.load %arg1[%get3A_25, %get3A_26] : memref<1000x128xf32, #tpu.memory_space<vmem>>, vector<1000x128xf32>
    %get3A_28 = arith.constant 0 : index
    %get3A_29 = arith.constant 0 : index
    %get3A_30 = vector.load %arg5[%get3A_28, %get3A_29] : memref<128x128xf32, #tpu.memory_space<vmem>>, vector<128x128xf32>
    %dot_general3A_31 = arith.constant dense<0.000000e+00> : vector<1000x128xf32>
    %dot_general3A_32 = tpu.matmul %get3A_27, %get3A_30, %dot_general3A_31 {dimension_numbers = #tpu.dot_dimension_numbers<[1], [0], [0], [1], [0, 0, 1, 1], [], []>, transpose_lhs_hint = false} : vector<1000x128xf32>, vector<128x128xf32>, vector<1000x128xf32> -> vector<1000x128xf32>
    %add3A_33 = arith.addf %add3A_24, %dot_general3A_32 : vector<1000x128xf32>
    %get3A_34 = arith.constant 0 : index
    %get3A_35 = arith.constant 0 : index
    %get3A_36 = vector.load %arg7[%get3A_34, %get3A_35] : memref<1x128xf32, #tpu.memory_space<vmem>>, vector<1x128xf32>
    %mul3A = arith.constant 0.999994993 : f32
    %mul3A_37 = vector.broadcast %mul3A : f32 to vector<1x128xf32>
    %mul3A_38 = arith.mulf %mul3A_37, %get3A_36 : vector<1x128xf32>
    %mul3A_39 = vector.broadcast %mul3A_38 : vector<1x128xf32> to vector<1000x128xf32>
    %mul3A_40 = arith.mulf %add3A_33, %mul3A_39 : vector<1000x128xf32>
    %get3A_41 = arith.constant 0 : index
    %get3A_42 = arith.constant 0 : index
    %get3A_43 = vector.load %arg8[%get3A_41, %get3A_42] : memref<1x128xf32, #tpu.memory_space<vmem>>, vector<1x128xf32>
    %add3A_44 = vector.broadcast %get3A_43 : vector<1x128xf32> to vector<1000x128xf32>
    %add3A_45 = arith.addf %mul3A_40, %add3A_44 : vector<1000x128xf32>
    %max3A_46 = arith.constant 0.000000e+00 : f32
    %max3A_47 = vector.broadcast %max3A_46 : f32 to vector<1000x128xf32>
    %max3A_48 = arith.maximumf %add3A_45, %max3A_47 : vector<1000x128xf32>
    %get3A_49 = arith.constant 0 : index
    %get3A_50 = arith.constant 0 : index
    %get3A_51 = vector.load %arg9[%get3A_49, %get3A_50] : memref<128x64xf32, #tpu.memory_space<vmem>>, vector<128x64xf32>
    %dot_general3A_52 = arith.constant dense<0.000000e+00> : vector<1000x64xf32>
    %dot_general3A_53 = tpu.matmul %max3A_48, %get3A_51, %dot_general3A_52 {dimension_numbers = #tpu.dot_dimension_numbers<[1], [0], [0], [1], [0, 0, 1, 1], [], []>, transpose_lhs_hint = false} : vector<1000x128xf32>, vector<128x64xf32>, vector<1000x64xf32> -> vector<1000x64xf32>
    %swap3A = arith.constant 0 : index
    %swap3A_54 = arith.constant 0 : index
    %swap3A_55 = vector.load %arg11[%swap3A, %swap3A_54] : memref<1000x64xf32, #tpu.memory_space<vmem>>, vector<1000x64xf32>
    tpu.vector_store %arg11[%swap3A, %swap3A_54], %dot_general3A_53 {strides = array<i32>} : memref<1000x64xf32, #tpu.memory_space<vmem>>, vector<1000x64xf32>,
    %get3A_56 = arith.constant 0 : index
    %get3A_57 = arith.constant 0 : index
    %get3A_58 = vector.load %arg10[%get3A_56, %get3A_57] : memref<128x64xf32, #tpu.memory_space<vmem>>, vector<128x64xf32>
    %dot_general3A_59 = arith.constant dense<0.000000e+00> : vector<1000x64xf32>
    %dot_general3A_60 = tpu.matmul %max3A_48, %get3A_58, %dot_general3A_59 {dimension_numbers = #tpu.dot_dimension_numbers<[1], [0], [0], [1], [0, 0, 1, 1], [], []>, transpose_lhs_hint = false} : vector<1000x128xf32>, vector<128x64xf32>, vector<1000x64xf32> -> vector<1000x64xf32>
    %swap3A_61 = arith.constant 0 : index
    %swap3A_62 = arith.constant 0 : index
    %swap3A_63 = vector.load %arg12[%swap3A_61, %swap3A_62] : memref<1000x64xf32, #tpu.memory_space<vmem>>, vector<1000x64xf32>
    tpu.vector_store %arg12[%swap3A_61, %swap3A_62], %dot_general3A_60 {strides = array<i32>} : memref<1000x64xf32, #tpu.memory_space<vmem>>, vector<1000x64xf32>,
    return
  }
  func.func @transform_0(%arg0: i32) -> (i32, i32) {
    %c0_i32 = arith.constant 0 : i32
    %c0_i32_0 = arith.constant 0 : i32
    return %arg0, %c0_i32 : i32, i32
  }
  func.func @transform_1(%arg0: i32) -> (i32, i32, i32) {
    %c0_i32 = arith.constant 0 : i32
    %c0_i32_0 = arith.constant 0 : i32
    %c0_i32_1 = arith.constant 0 : i32
    return %c0_i32, %arg0, %c0_i32_0 : i32, i32, i32
  }
  func.func @transform_2(%arg0: i32) -> (i32, i32) {
    %c0_i32 = arith.constant 0 : i32
    %c0_i32_0 = arith.constant 0 : i32
    return %arg0, %c0_i32 : i32, i32
  }
  func.func @transform_3(%arg0: i32) -> (i32, i32) {
    %c0_i32 = arith.constant 0 : i32
    %c0_i32_0 = arith.constant 0 : i32
    %c0_i32_1 = arith.constant 0 : i32
    return %c0_i32, %c0_i32_0 : i32, i32
  }
  func.func @transform_4(%arg0: i32) -> (i32, i32) {
    %c0_i32 = arith.constant 0 : i32
    %c0_i32_0 = arith.constant 0 : i32
    %c0_i32_1 = arith.constant 0 : i32
    return %c0_i32, %c0_i32_0 : i32, i32
  }
  func.func @transform_5(%arg0: i32) -> (i32, i32) {
    %c0_i32 = arith.constant 0 : i32
    %c0_i32_0 = arith.constant 0 : i32
    %c0_i32_1 = arith.constant 0 : i32
    return %c0_i32, %c0_i32_0 : i32, i32
  }
  func.func @transform_6(%arg0: i32) -> (i32, i32) {
    %c0_i32 = arith.constant 0 : i32
    %c0_i32_0 = arith.constant 0 : i32
    %c0_i32_1 = arith.constant 0 : i32
    return %c0_i32, %c0_i32_0 : i32, i32
  }
  func.func @transform_7(%arg0: i32) -> (i32, i32) {
    %c0_i32 = arith.constant 0 : i32
    %c0_i32_0 = arith.constant 0 : i32
    %c0_i32_1 = arith.constant 0 : i32
    return %c0_i32, %c0_i32_0 : i32, i32
  }
  func.func @transform_8(%arg0: i32) -> (i32, i32) {
    %c0_i32 = arith.constant 0 : i32
    %c0_i32_0 = arith.constant 0 : i32
    %c0_i32_1 = arith.constant 0 : i32
    return %c0_i32, %c0_i32_0 : i32, i32
  }
  func.func @transform_9(%arg0: i32) -> (i32, i32) {
    %c0_i32 = arith.constant 0 : i32
    %c0_i32_0 = arith.constant 0 : i32
    %c0_i32_1 = arith.constant 0 : i32
    return %c0_i32, %c0_i32_0 : i32, i32
  }
  func.func @transform_10(%arg0: i32) -> (i32, i32) {
    %c0_i32 = arith.constant 0 : i32
    %c0_i32_0 = arith.constant 0 : i32
    return %arg0, %c0_i32 : i32, i32
  }
  func.func @transform_11(%arg0: i32) -> (i32, i32) {
    %c0_i32 = arith.constant 0 : i32
    %c0_i32_0 = arith.constant 0 : i32
    return %arg0, %c0_i32 : i32, i32
  }
}

module attributes {stable_mosaic.version = 14 : i64} {
  func.func @_tc2_body(%arg0: i32, %arg1: memref<2x1000x64xf32, #tpu.memory_space<vmem>>, %arg2: memref<1000x32xf32, #tpu.memory_space<vmem>>, %arg3: memref<1000x64xf32, #tpu.memory_space<vmem>>, %arg4: memref<1x64xf32, #tpu.memory_space<vmem>>, %arg5: memref<1x64xf32, #tpu.memory_space<vmem>>, %arg6: memref<1x64xf32, #tpu.memory_space<vmem>>, %arg7: memref<64x10xf32, #tpu.memory_space<vmem>>, %arg8: memref<1x10xf32, #tpu.memory_space<vmem>>, %arg9: memref<1000x10xf32, #tpu.memory_space<vmem>>) attributes {dimension_semantics = [#tpu.dimension_semantics<arbitrary>], iteration_bounds = array<i64: 10>, scalar_prefetch = 0 : i64, scratch_operands = 0 : i64, tpu.core_type = #tpu.core_type<tc>, window_params = [{transform_indices = @transform_0, window_bounds = array<i64: 2, 1000, 64>}, {transform_indices = @transform_1, window_bounds = array<i64: 1000, 32>}, {transform_indices = @transform_2, window_bounds = array<i64: 1000, 64>}, {pipeline_mode = #tpu.pipeline_mode<synchronous>, transform_indices = @transform_3, window_bounds = array<i64: 1, 64>}, {pipeline_mode = #tpu.pipeline_mode<synchronous>, transform_indices = @transform_4, window_bounds = array<i64: 1, 64>}, {pipeline_mode = #tpu.pipeline_mode<synchronous>, transform_indices = @transform_5, window_bounds = array<i64: 1, 64>}, {pipeline_mode = #tpu.pipeline_mode<synchronous>, transform_indices = @transform_6, window_bounds = array<i64: 64, 10>}, {pipeline_mode = #tpu.pipeline_mode<synchronous>, transform_indices = @transform_7, window_bounds = array<i64: 1, 10>}, {transform_indices = @transform_8, window_bounds = array<i64: 1000, 10>}]} {
    %get3A = arith.constant 0 : index
    %get3A_0 = arith.constant 0 : index
    %get3A_1 = arith.constant 0 : index
    %get3A_2 = vector.load %arg1[%get3A, %get3A_0, %get3A_1] : memref<2x1000x64xf32, #tpu.memory_space<vmem>>, vector<1x1000x64xf32>
    %get3A_3 = vector.shape_cast %get3A_2 : vector<1x1000x64xf32> to vector<1000x64xf32>
    %get3A_4 = arith.constant 1 : index
    %get3A_5 = arith.constant 0 : index
    %get3A_6 = arith.constant 0 : index
    %get3A_7 = vector.load %arg1[%get3A_4, %get3A_5, %get3A_6] : memref<2x1000x64xf32, #tpu.memory_space<vmem>>, vector<1x1000x64xf32>
    %get3A_8 = vector.shape_cast %get3A_7 : vector<1x1000x64xf32> to vector<1000x64xf32>
    %add3A = arith.addf %get3A_3, %get3A_8 : vector<1000x64xf32>
    %get3A_9 = arith.constant 0 : index
    %get3A_10 = arith.constant 0 : index
    %get3A_11 = vector.load %arg2[%get3A_9, %get3A_10] : memref<1000x32xf32, #tpu.memory_space<vmem>>, vector<1000x32xf32>
    %reduce_sum3A = arith.constant dense<0.000000e+00> : vector<1000xf32>
    %reduce_sum3A_12 = vector.multi_reduction <add>, %get3A_11, %reduce_sum3A [1] : vector<1000x32xf32> to vector<1000xf32>
    %max3A = arith.constant 1.000000e+00 : f32
    %max3A_13 = vector.broadcast %max3A : f32 to vector<1000xf32>
    %max3A_14 = arith.maximumf %reduce_sum3A_12, %max3A_13 : vector<1000xf32>
    %broadcast_in_dim3A = vector.shape_cast %max3A_14 : vector<1000xf32> to vector<1000x1xf32>
    %div3A = vector.broadcast %broadcast_in_dim3A : vector<1000x1xf32> to vector<1000x64xf32>
    %div3A_15 = arith.divf %add3A, %div3A : vector<1000x64xf32>
    %get3A_16 = arith.constant 0 : index
    %get3A_17 = arith.constant 0 : index
    %get3A_18 = vector.load %arg4[%get3A_16, %get3A_17] : memref<1x64xf32, #tpu.memory_space<vmem>>, vector<1x64xf32>
    %add3A_19 = vector.broadcast %get3A_18 : vector<1x64xf32> to vector<1000x64xf32>
    %add3A_20 = arith.addf %div3A_15, %add3A_19 : vector<1000x64xf32>
    %get3A_21 = arith.constant 0 : index
    %get3A_22 = arith.constant 0 : index
    %get3A_23 = vector.load %arg3[%get3A_21, %get3A_22] : memref<1000x64xf32, #tpu.memory_space<vmem>>, vector<1000x64xf32>
    %add3A_24 = arith.addf %add3A_20, %get3A_23 : vector<1000x64xf32>
    %get3A_25 = arith.constant 0 : index
    %get3A_26 = arith.constant 0 : index
    %get3A_27 = vector.load %arg5[%get3A_25, %get3A_26] : memref<1x64xf32, #tpu.memory_space<vmem>>, vector<1x64xf32>
    %mul3A = arith.constant 0.999994993 : f32
    %mul3A_28 = vector.broadcast %mul3A : f32 to vector<1x64xf32>
    %mul3A_29 = arith.mulf %mul3A_28, %get3A_27 : vector<1x64xf32>
    %mul3A_30 = vector.broadcast %mul3A_29 : vector<1x64xf32> to vector<1000x64xf32>
    %mul3A_31 = arith.mulf %add3A_24, %mul3A_30 : vector<1000x64xf32>
    %get3A_32 = arith.constant 0 : index
    %get3A_33 = arith.constant 0 : index
    %get3A_34 = vector.load %arg6[%get3A_32, %get3A_33] : memref<1x64xf32, #tpu.memory_space<vmem>>, vector<1x64xf32>
    %add3A_35 = vector.broadcast %get3A_34 : vector<1x64xf32> to vector<1000x64xf32>
    %add3A_36 = arith.addf %mul3A_31, %add3A_35 : vector<1000x64xf32>
    %max3A_37 = arith.constant 0.000000e+00 : f32
    %max3A_38 = vector.broadcast %max3A_37 : f32 to vector<1000x64xf32>
    %max3A_39 = arith.maximumf %add3A_36, %max3A_38 : vector<1000x64xf32>
    %get3A_40 = arith.constant 0 : index
    %get3A_41 = arith.constant 0 : index
    %get3A_42 = vector.load %arg7[%get3A_40, %get3A_41] : memref<64x10xf32, #tpu.memory_space<vmem>>, vector<64x10xf32>
    %dot_general3A = arith.constant dense<0.000000e+00> : vector<1000x10xf32>
    %dot_general3A_43 = tpu.matmul %max3A_39, %get3A_42, %dot_general3A {dimension_numbers = #tpu.dot_dimension_numbers<[1], [0], [0], [1], [0, 0, 1, 1], [], []>, transpose_lhs_hint = false} : vector<1000x64xf32>, vector<64x10xf32>, vector<1000x10xf32> -> vector<1000x10xf32>
    %get3A_44 = arith.constant 0 : index
    %get3A_45 = arith.constant 0 : index
    %get3A_46 = vector.load %arg8[%get3A_44, %get3A_45] : memref<1x10xf32, #tpu.memory_space<vmem>>, vector<1x10xf32>
    %add3A_47 = vector.broadcast %get3A_46 : vector<1x10xf32> to vector<1000x10xf32>
    %add3A_48 = arith.addf %dot_general3A_43, %add3A_47 : vector<1000x10xf32>
    %swap3A = arith.constant 0 : index
    %swap3A_49 = arith.constant 0 : index
    %swap3A_50 = vector.load %arg9[%swap3A, %swap3A_49] : memref<1000x10xf32, #tpu.memory_space<vmem>>, vector<1000x10xf32>
    tpu.vector_store %arg9[%swap3A, %swap3A_49], %add3A_48 {strides = array<i32>} : memref<1000x10xf32, #tpu.memory_space<vmem>>, vector<1000x10xf32>,
    return
  }
  func.func @transform_0(%arg0: i32) -> (i32, i32, i32) {
    %c0_i32 = arith.constant 0 : i32
    %c0_i32_0 = arith.constant 0 : i32
    %c0_i32_1 = arith.constant 0 : i32
    return %c0_i32, %arg0, %c0_i32_0 : i32, i32, i32
  }
  func.func @transform_1(%arg0: i32) -> (i32, i32) {
    %c0_i32 = arith.constant 0 : i32
    %c0_i32_0 = arith.constant 0 : i32
    return %arg0, %c0_i32 : i32, i32
  }
  func.func @transform_2(%arg0: i32) -> (i32, i32) {
    %c0_i32 = arith.constant 0 : i32
    %c0_i32_0 = arith.constant 0 : i32
    return %arg0, %c0_i32 : i32, i32
  }
  func.func @transform_3(%arg0: i32) -> (i32, i32) {
    %c0_i32 = arith.constant 0 : i32
    %c0_i32_0 = arith.constant 0 : i32
    %c0_i32_1 = arith.constant 0 : i32
    return %c0_i32, %c0_i32_0 : i32, i32
  }
  func.func @transform_4(%arg0: i32) -> (i32, i32) {
    %c0_i32 = arith.constant 0 : i32
    %c0_i32_0 = arith.constant 0 : i32
    %c0_i32_1 = arith.constant 0 : i32
    return %c0_i32, %c0_i32_0 : i32, i32
  }
  func.func @transform_5(%arg0: i32) -> (i32, i32) {
    %c0_i32 = arith.constant 0 : i32
    %c0_i32_0 = arith.constant 0 : i32
    %c0_i32_1 = arith.constant 0 : i32
    return %c0_i32, %c0_i32_0 : i32, i32
  }
  func.func @transform_6(%arg0: i32) -> (i32, i32) {
    %c0_i32 = arith.constant 0 : i32
    %c0_i32_0 = arith.constant 0 : i32
    %c0_i32_1 = arith.constant 0 : i32
    return %c0_i32, %c0_i32_0 : i32, i32
  }
  func.func @transform_7(%arg0: i32) -> (i32, i32) {
    %c0_i32 = arith.constant 0 : i32
    %c0_i32_0 = arith.constant 0 : i32
    %c0_i32_1 = arith.constant 0 : i32
    return %c0_i32, %c0_i32_0 : i32, i32
  }
  func.func @transform_8(%arg0: i32) -> (i32, i32) {
    %c0_i32 = arith.constant 0 : i32
    %c0_i32_0 = arith.constant 0 : i32
    return %arg0, %c0_i32 : i32, i32
  }
}

</mosaic_0001>

<sc_bundles>
// kernel: kernel.10.cloned.1.call-start
scs
__scs_entry_jumppad:
0x0: {  	(pc) =	sbr.rel $0x88, $3  }
0x1: {  	(tag) =	ssettag $0x0;
	lr =	simm.s32 $0x1  }
0x2: {  	[smem:$0x3F93] =	sst lr;
	_ =	strace $0xD0000000  }
0x3: {  	_ = 	snop  }
0x4: {  	_ = 	snop  }
0x5: {  	_ = 	snop  }
0x6: {  	_ = 	snop  }
0x7: {  	_ = 	snop  }
__scs_overlays_trampoline_lowered:
0x8: {  	[smem:$0x3FA2] =	sst s0  }
0x9: {  	[smem:$0x3FA3] =	sst s1  }
0xa: {  	[smem:$0x3FA4] =	sst s2  }
0xb: {  	[smem:$0x3FA5] =	sst s3  }
0xc: {  	[smem:$0x3FA6] =	sst s4  }
0xd: {  	[smem:$0x3FA7] =	sst s5  }
0xe: {  	[smem:$0x3FA8] =	sst s6  }
0xf: {  	[smem:$0x3FA9] =	sst s7  }
0x10: {  	[smem:$0x3FAA] =	sst s8  }
0x11: {  	[smem:$0x3FAB] =	sst s9;
	s0 =	simm.s32 @!p0 $0x0  }
0x12: {  	s1 =	sld [smem:$0x3F91];
	s0 =	simm.s32 @p0 $0x1  }
0x13: {  	[smem:$0x3FAC] =	sst s0;
	s0 =	simm.s32 @!p1 $0x0  }
0x14: {  	s2 =	sld [smem:$0x3F90];
	s0 =	simm.s32 @p1 $0x1  }
0x15: {  	[smem:$0x3FAD] =	sst s0;
	s0 =	simm.s32 @!p2 $0x0  }
0x16: {  	s3 =	sld [smem:$0x3FDB];
	s0 =	simm.s32 @p2 $0x1  }
0x17: {  	s4 =	simm.s32 $0x1BF5;
	[smem:$0x3FAF] =	sst s0  }
0x18: {  	s0 =	sld [smem:$0x3F92];
	_ =	swait.ge [sflag:s4], $0x0  }
0x19: {  	s7 =	sld [smem:$0x3F93]  }
0x1a: {  	s8 =	sadd.s32 $0xFFFFE003, lr  }
0x1b: {  	s9 =	sadd.s32 $0xFFFFFEF7, lr;
	s5 =	simm.s32 $0xFFFFFFFF;
	p2 =	slt.u32 s8, $0xFFFFF086  }
0x1c: {  	p1 =	slt.u32 s9, $0xF7A;
	s5 =	simm.s32 @!p2 $0x0  }
0x1d: {  	s5 =	simm.s32 @p1 $0x1;
	p0 =	seq.s32 s7, s2  }
0x1e: {  	s7 =	smul.u32 @!p0 $0xF7A, s2;
	p2 =	seq.s32 @!p0 s5, $0x0  }
0x1f: {  	s9 =	smul.u32 $0xF7A, s1;
	s8 =	simm.s32 @!p0 $0x1BF5;
	p2 =	por !p2, p0  }
0x20: {  	[sflag:s8] =	ssyncset.s32 @!p0 $0xFFFFF086;
	s6 =	sadd.s32 @!p0 s3, s7;
	s7 =	simm.s32 @!p0 $0x108  }
0x21: {  	s3 =	sadd.s32 s3, s9;
	s6 =	sadd.s32 @!p0 $0x88, s6;
	s7 =	simm.s32 @p2 $0x1082  }
0x22: {  	[simem:s7], [sflag:s8] =	dma.local @!p0 [hbm:s6], $0xF7A  }
0x23: {  	s9 =	sor.u32 $0xD0000000, s2;
	s6 =	simm.s32 $0x108;
	_ =	swait.ge @!p0 [sflag:s8], $0x0  }
0x24: {  	s3 =	sadd.s32 $0x88, s3;
	s6 =	simm.s32 @!p1 $0x1082;
	[sflag:s4] =	ssyncset.s32 $0xFFFFF086  }
0x25: {  	[simem:s6], [sflag:s4] =	dma.local [hbm:s3], $0xF7A  }
0x26: {  	[smem:$0x3F93] =	sst s1;
	(tag) =	ssettag s2;
	_ =	strace s9  }
0x27: {  	s1 =	sld [smem:$0x3FA3]  }
0x28: {  	s2 =	sld [smem:$0x3FA4]  }
0x29: {  	s4 =	sld [smem:$0x3FA6]  }
0x2a: {  	p0 =	seq.s32 s5, $0x0;
	s5 =	sld [smem:$0x3FA7]  }
0x2b: {  	s6 =	sld [smem:$0x3FA8]  }
0x2c: {  	s7 =	sld [smem:$0x3FA9]  }
0x2d: {  	s3 =	simm.s32 $0x108;
	s8 =	sld [smem:$0x3FAA]  }
0x2e: {  	s3 =	simm.s32 @!p0 $0x1082;
	s9 =	sld [smem:$0x3FAB]  }
0x2f: {  	lr =	sadd.s32 s0, s3;
	s0 =	sld [smem:$0x3FA2]  }
0x30: {  	s3 =	sld [smem:$0x3FA5]  }
0x31: {  	[smem:$0x3FAE] =	sst s10  }
0x32: {  	s10 =	sld [smem:$0x3FAC];
	_ =	sdelay $0x3  }
0x33: {  	p0 =	seq.s32 s10, $0x1;
	s10 =	sld [smem:$0x3FAE];
	_ =	sdelay $0x3  }
0x34: {  	[smem:$0x3FAE] =	sst s10  }
0x35: {  	s10 =	sld [smem:$0x3FAD];
	_ =	sdelay $0x3  }
0x36: {  	p1 =	seq.s32 s10, $0x1;
	s10 =	sld [smem:$0x3FAE];
	_ =	sdelay $0x3  }
0x37: {  	[smem:$0x3FAE] =	sst s10  }
0x38: {  	s10 =	sld [smem:$0x3FAF]  }
0x39: {  	_ = 	snop;
	(pc) =	sbr.ind lr, $3  }
0x3a: {  	_ = 	snop  }
0x3b: {  	_ = 	snop  }
0x3c: {  	p2 =	seq.s32 s10, $0x1;
	s10 =	sld [smem:$0x3FAE]  }
0x3d: {  	_ =	shalt  }
0x3e: {  	_ =	shalt  }
0x3f: {  	_ =	shalt  }
0x40: {  	_ =	shalt  }
0x41: {  	_ =	shalt  }
0x42: {  	_ =	shalt  }
0x43: {  	_ =	shalt  }
0x44: {  	_ =	shalt  }
0x45: {  	_ =	shalt  }
0x46: {  	_ =	shalt  }
0x47: {  	_ =	shalt  }
0x48: {  	_ =	shalt  }
0x49: {  	_ =	shalt  }
0x4a: {  	_ =	shalt  }
0x4b: {  	_ =	shalt  }
0x4c: {  	_ =	shalt  }
0x4d: {  	_ =	shalt  }
0x4e: {  	_ =	shalt  }
0x4f: {  	_ =	shalt  }
0x50: {  	_ =	shalt  }
0x51: {  	_ =	shalt  }
0x52: {  	_ =	shalt  }
0x53: {  	_ =	shalt  }
0x54: {  	_ =	shalt  }
0x55: {  	_ =	shalt  }
0x56: {  	_ =	shalt  }
0x57: {  	_ =	shalt  }
0x58: {  	_ =	shalt  }
0x59: {  	_ =	shalt  }
0x5a: {  	_ =	shalt  }
0x5b: {  	_ =	shalt  }
0x5c: {  	_ =	shalt  }
0x5d: {  	_ =	shalt  }
0x5e: {  	_ =	shalt  }
0x5f: {  	_ =	shalt  }
0x60: {  	_ =	shalt  }
0x61: {  	_ =	shalt  }
0x62: {  	_ =	shalt  }
0x63: {  	_ =	shalt  }
0x64: {  	_ =	shalt  }
0x65: {  	_ =	shalt  }
0x66: {  	_ =	shalt  }
0x67: {  	_ =	shalt  }
0x68: {  	_ =	shalt  }
0x69: {  	_ =	shalt  }
0x6a: {  	_ =	shalt  }
0x6b: {  	_ =	shalt  }
0x6c: {  	_ =	shalt  }
0x6d: {  	_ =	shalt  }
0x6e: {  	_ =	shalt  }
0x6f: {  	_ =	shalt  }
0x70: {  	_ =	shalt  }
0x71: {  	_ =	shalt  }
0x72: {  	_ =	shalt  }
0x73: {  	_ =	shalt  }
0x74: {  	_ =	shalt  }
0x75: {  	_ =	shalt  }
0x76: {  	_ =	shalt  }
0x77: {  	_ =	shalt  }
0x78: {  	_ =	shalt  }
0x79: {  	_ =	shalt  }
0x7a: {  	_ =	shalt  }
0x7b: {  	_ =	shalt  }
0x7c: {  	_ =	shalt  }
0x7d: {  	_ =	shalt  }
0x7e: {  	_ =	shalt  }
0x7f: {  	_ =	shalt  }
0x80: {  	_ =	shalt  }
0x81: {  	_ =	shalt  }
0x82: {  	_ =	shalt  }
0x83: {  	_ =	shalt  }
0x84: {  	_ =	shalt  }
0x85: {  	_ =	shalt  }
0x86: {  	_ =	shalt  }
0x87: {  	_ =	shalt  }
.Lfunc_end0:
.L_simem_size_0:
called_computation.1_lowered:
.L_overlay_start_0:
0x88: {  	s2 =	sld [smem:$0x3FD9]  }
0x89: {  	s3 =	sld [smem:$0x3FFE];
	_ =	sdelay $0x1  }
0x8a: {  	s1 =	srdreg.scid  }
0x8b: {  	s0 =	sand.u32 $0x1, s1  }
0x8c: {  	s16 =	sshll.u32 s0, $0xA;
	s2 =	sadd.s32 s3, s2  }
0x8d: {  	s2 =	sadd.s32 s2, s16  }
0x8e: {  	[smem:$0x3FBA] =	sst s2  }
0x8f: {  	_ = 	snop  }
0x90: {  	(tm) =	ssettm $0x1  }
0x91: {  	s17 =	sld [smem:$0x3FFB];
	_ =	sdelay $0x3  }
0x92: {  	_ =	strace s17  }
0x93: {  	s2 =	sld [smem:$0x3FFC];
	_ =	sdelay $0x3  }
0x94: {  	_ =	strace s2  }
0x95: {  	s2 =	sld [smem:$0x3FFD];
	_ =	sdelay $0x3  }
0x96: {  	_ =	strace s2  }
0x97: {  	_ =	strace $0x8FFFFFFF  }
0x98: {  	s18 =	sld [smem:$0x3FDB];
	_ =	sdelay $0x1  }
0x99: {  	s19 =	simm.s32 $_scs_section_size  }
0x9a: {  	s4 =	simm.s32 $_size__tile_overlayer_lowered;
	s5 =	simm.s32 $_tile_overlayer_lowered  }
0x9b: {  	s22 =	simm.s32 $0x1BFF;
	s21 =	sshll.u32 s5, $0x1;
	s2 =	sadd.s32 s19, s18  }
0x9c: {  	s6 =	simm.s32 $0x0;
	s20 =	sshll.u32 s4, $0x1;
	s4 =	sadd.s32 s21, s2  }
0x9d: {  	[timem:s6], [sflag:s22] =	dma.local [hbm:s4], s20  }
0x9e: {  	_ =	swait.ge [sflag:s22], s20  }
0x9f: {  	s3 =	ssub.s32 $0x0, s20;
	[sflag:s22] =	ssyncset.done $0x0  }
0xa0: {  	[sflag:s22] =	ssyncadd.s32 s3;
	_ =	sdelay $0x1  }
0xa1: {  	s23 =	simm.s32 $0x1B8B  }
0xa2: {  	_ =	swait.ge [sflag:s23], $0x1  }
0xa3: {  	[sflag:s23] =	ssyncset.done $0x0  }
0xa4: {  	s25 =	simm.s32 $0x1B8E;
	s24 =	sld [smem:$0x3FFE];
	[sflag:s23] =	ssyncadd.s32 $0xFFFFFFFF  }
0xa5: {  	s26 =	simm.s32 $execute0_lowered;
	[smem:$0x3FD2] =	sst s25  }
0xa6: {  	s4 =	sshll.u32 s26, $0x1;
	_ =	strace $0x80000046;
	[dreg:$0x1] =	wrdreg $0xFFFFFFFF  }
0xa7: {  	s28 =	simm.s32 $_size_execute0_lowered;
	s2 =	sadd.s32 s2, s4;
	[dreg:$0x0] =	wrdreg $0x0  }
0xa8: {  	s4 =	sshll.u32 s28, $0x1;
	[dreg:$0x2] =	wrdreg s2  }
0xa9: {  	[dreg:$0x3] =	wrdreg s4  }
0xaa: {  	[dreg:$0x4] =	wrdreg $0xC0  }
0xab: {  	_ =	task [dreg:s6], $0x5FFFF  }
0xac: {  	[dreg:$0x1] =	wrdreg $0xFFFFFFFF  }
0xad: {  	[dreg:$0x0] =	wrdreg $0x60  }
0xae: {  	[dreg:$0x2] =	wrdreg s24  }
0xaf: {  	[dreg:$0x3] =	wrdreg $0xA  }
0xb0: {  	_ =	task.clear_ibuf [dreg:s6], $0x4FFFF;
	_ =	strace $0x90000046  }
0xb1: {  	s29 =	simm.s32 $0xA;
	_ =	strace $0x80000048  }
0xb2: {  	_ =	swait.ge [sflag:s29], $0x1  }
0xb3: {  	[sflag:s29] =	ssyncadd.s32 $0xFFFFFFFF  }
0xb4: {  	_ =	strace $0x90000048  }
0xb5: {  	_ =	sfence  }
0xb6: {  	s30 =	sld [smem:$0x0];
	_ =	sdelay $0x2  }
0xb7: {  	s31 =	sshll.u32 s1, $0xD;
	s1 =	sshrl.u32 s1, $0x2  }
0xb8: {  	s3 =	sand.u32 $0x4000, s31;
	s1 =	sadd.s32 s1, s30  }
0xb9: {  	s0 =	sor.u32 s3, s0;
	s1 =	sshll.u32 s1, $0x11  }
0xba: {  	s0 =	sor.u32 s1, s0  }
0xbb: {  	s0 =	sadd.s32 $0x8F2B, s0  }
0xbc: {  	[sflag:s0] =	ssyncadd.remote.s32 $0x1  }
0xbd: {  	_ =	sfence.sel $0xFFFF  }
0xbe: {  	[dreg:$0x0] =	wrdreg $0xFFFFFFFF;
	(pc) =	sbr.abs _section_cstart, $3  }
0xbf: {  	[dreg:$0x1] =	wrdreg $0xFFFFFFFF  }
0xc0: {  	_ =	task.clear_ibuf [dreg:s6], $0x2FFFF;
	_ =	strace $0x9FFFFFFF  }
0xc1: {  	(tm) =	ssettm $0x7FFFFFFF  }
tec
execute0_lowered:
.L_overlay_start_1:
0x0: {  	(tag) =	ssettag $0x1  }
0x1: {  	s0 =	srdreg.scid  }
0x2: {  	s3 =	sand.u32 $0x1, s0  }
0x3: {  	s4 =	rddreg [dreg:$0x0];
	s0 =	stileid.u32;
	s1 =	sshll.u32 s3, $0x4  }
0x4: {  	s2 =	simm.s32 $0x0;
	s8 =	simm.s32 $0x0;
	s5 =	sor.u32 s0, s1  }
0x5: {  	[smem:$0x7FF] =	sst s2;
	s3 =	ssub.s32 $0x2, s3;
	s6 =	smul.u32 $0x4EC, s5  }
0x6: {  	s1 =	rddreg [dreg:$0x1];
	s7 =	sshrl.u32 s3, $0x1;
	s5 =	smul.u32 $0x500, s5  }
0x7: {  	_ =	strace $0x80000047;
	s31 =	ssub.s32 s3, s7;
	s7 =	simm.s32 $0x2760  }
0x8: {  	s6 =	sadd.s32 s6, s4;
	s4 =	sadd.s32 s5, s4;
	s5 =	smax.u32 s31, $0x1  }
0x9: {  	v0 =	vimm.f32 $0.0e+00;
	v1 =	vimm.f32 $1.000000000e+00;
	s3 =	sadd.s32 $0x1E00, s6;
	s4 =	sadd.s32 $0xBC00, s4;
	s6 =	simm.s32 $0x1  }
.LBB2_1:
0xa: {  	s9 =	simm.s32 $0x40;
	s10 =	simm.s32 $0x0  }
.LBB2_2:
0xb: {  	p0 =	sne.s32 s9, $0x9FC0;
	[tilespmem:s10+$0x2760] =	vst v0;
	s10 =	smov.u32 s9;
	s9 =	sadd.s32 $0x40, s9  }
.Ltmp0:
0xc: {  	(pc) =	sbr.rel @p0 .LBB2_2-.Ltmp0, $2  }
0xd: {  	_ =	sdelay $0x2  }
0xe: {  	s10 =	sshra.s32 s10, $0x2  }
0xf: {  	s9 =	simm.s32 $0x0  }
0x10: {  	s11 =	smul.u32 $0xCCCD, s9;
	_ =	sdelay $0x1  }
0x11: {  	s11 =	sshrl.u32 s11, $0x12  }
0x12: {  	[tilespmem:s10+$0x2760] =	vst v0;
	s28 =	smul.u32 $0x5, s11  }
0x13: {  	[tilespmem:s9], [sflag:$0x1] =	stream.linear.gather [hbm4b:s3+s9], $0x2760, $0x38;
	[tilespmem:$0x4F60] =	vst v63  }
0x14: {  	s30 =	smul.u32 $0x140, s11;
	s29 =	ssub.s32 $0x0, s28  }
0x15: {  	_ =	swait.ge [sflag:s6], $0x2760;
	s9 =	sand.u32 $0xFFFF, s29  }
0x16: {  	[sflag:s6] =	ssyncset.done $0x0;
	s10 =	sshrl.u32 s30, $0x2;
	s31 =	sshll.u32 s9, $0x4  }
0x17: {  	[sflag:s6] =	ssyncadd.s32 $0xFFFFD8A0;
	s9 =	simm.s32 $0x1;
	s12 =	sadd.s32 s31, s10  }
0x18: {  	s11 =	smul.u32 $0xCCCD, s9;
	s10 =	simm.s32 $0x2;
	v2 =	vld [tilespmem:s12+$0x0]  }
.LBB2_4:
0x19: {  	p0 =	sne.s32 s10, $0x275  }
0x1a: {  	s11 =	sshrl.u32 s11, $0x12  }
0x1b: {  	s12 =	smul.u32 $0x5, s11  }
0x1c: {  	s11 =	smul.u32 $0x140, s11  }
.Ltmp1:
0x1d: {  	s9 =	ssub.s32 s9, s12;
	(pc) =	sbr.rel @p0 .LBB2_4-.Ltmp1, $4  }
0x1e: {  	s12 =	sand.u32 $0xFFFF, s9;
	s9 =	smov.u32 s10  }
0x1f: {  	s11 =	sshrl.u32 s11, $0x2;
	s12 =	sshll.u32 s12, $0x4  }
0x20: {  	s12 =	sadd.s32 s12, s11;
	[tilespmem:v2+s7+$0x0] =	vst.idx.add.f32.msk $0xffff, v1  }
0x21: {  	s10 =	sadd.s32 $0x1, s10;
	s11 =	smul.u32 $0xCCCD, s9;
	v2 =	vld [tilespmem:s12+$0x0]  }
0x22: {  	_ =	sdelay $0x1  }
0x23: {  	s10 =	sshrl.u32 s11, $0x12  }
0x24: {  	s11 =	smul.u32 $0x5, s10;
	_ =	sdelay $0x1  }
0x25: {  	s10 =	smul.u32 $0x140, s10;
	s9 =	ssub.s32 s9, s11  }
0x26: {  	s9 =	sand.u32 $0xFFFF, s9  }
0x27: {  	s10 =	sshrl.u32 s10, $0x2;
	s9 =	sshll.u32 s9, $0x4  }
0x28: {  	[tilespmem:v2+s7+$0x0] =	vst.idx.add.f32.msk $0xffff, v1;
	s9 =	sadd.s32 s9, s10  }
0x29: {  	v2 =	vld [tilespmem:s9+$0x0];
	_ =	sdelay $0x5  }
0x2a: {  	s8 =	sadd.s32 $0x1, s8  }
0x2b: {  	p0 =	sne.s32 s8, s5  }
.Ltmp2:
0x2c: {  	[tilespmem:v2+s7+$0x0] =	vst.idx.add.f32.msk $0xffff, v1;
	(pc) =	sbr.rel @p0 .LBB2_1-.Ltmp2, $4  }
0x2d: {  	[hbm4b:s4+s2] =	stream.linear.scatter [tilespmem:s7], [sflag:$0x1], $0x2800, $0x38;
	[tilespmem:$0x4F60] =	vst v63  }
0x2e: {  	_ =	swait.ge [sflag:s6], $0x2800  }
0x2f: {  	[sflag:s6] =	ssyncset.done $0x0  }
0x30: {  	[sflag:s6] =	ssyncadd.s32 $0xFFFFD800  }
0x31: {  	_ =	sfence.sel $0x180000  }
0x32: {  	[bflag:$0x0] =	sbarrier.arrive $0xFFFF  }
0x33: {  	p0 =	sne.s32 s0, $0x0;
	_ =	strace $0x90000047  }
0x34: {  	s0 =	sadd.s32 @!p0 $0x100000, s1;
	[bflag:$0x2] =	sbarrier.arrive $0xFFFF  }
0x35: {  	[sflag:s0] =	ssyncadd.tile.s32 @!p0 $0x1;
	_ =	shalt  }
.Lfunc_end2:
_tile_overlayer_lowered:
.L_overlay_start_2:
0x36: {  	(tag) =	ssettag $0x2  }
0x37: {  	s0 =	rddreg [dreg:$0x0];
	s2 =	stileid.u32  }
0x38: {  	s1 =	rddreg [dreg:$0x1];
	p0 =	sne.s32 s2, $0x0  }
0x39: {  	s3 =	rddreg [dreg:$0x2];
	[bflag:$0x3] =	sbarrier.arrive $0xFFFF;
	s2 =	simm.s32 @!p0 $0x1C01  }
0x3a: {  	[timem:s3], [sflag:s2] =	dma.local @!p0 [hbm:s0], s1  }
0x3b: {  	s0 =	simm.s32 @!p0 $0x1  }
0x3c: {  	_ =	swait.ge @!p0 [sflag:s0], s1  }
0x3d: {  	s1 =	ssub.s32 @!p0 $0x0, s1;
	[sflag:s0] =	ssyncset.done @!p0 $0x0  }
0x3e: {  	[sflag:s0] =	ssyncadd.s32 @!p0 s1  }
0x3f: {  	[bflag:$0x3] =	sbarrier.arrive $0xFFFF  }
0x40: {  	_ =	shalt  }

// kernel: kernel.13.cloned.1.call-start
scs
__scs_entry_jumppad:
0x0: {  	(pc) =	sbr.rel $0x88, $3  }
0x1: {  	(tag) =	ssettag $0x0;
	lr =	simm.s32 $0x1  }
0x2: {  	[smem:$0x3F93] =	sst lr;
	_ =	strace $0xD0000000  }
0x3: {  	_ = 	snop  }
0x4: {  	_ = 	snop  }
0x5: {  	_ = 	snop  }
0x6: {  	_ = 	snop  }
0x7: {  	_ = 	snop  }
__scs_overlays_trampoline_lowered:
0x8: {  	[smem:$0x3FA2] =	sst s0  }
0x9: {  	[smem:$0x3FA3] =	sst s1  }
0xa: {  	[smem:$0x3FA4] =	sst s2  }
0xb: {  	[smem:$0x3FA5] =	sst s3  }
0xc: {  	[smem:$0x3FA6] =	sst s4  }
0xd: {  	[smem:$0x3FA7] =	sst s5  }
0xe: {  	[smem:$0x3FA8] =	sst s6  }
0xf: {  	[smem:$0x3FA9] =	sst s7  }
0x10: {  	[smem:$0x3FAA] =	sst s8  }
0x11: {  	[smem:$0x3FAB] =	sst s9;
	s0 =	simm.s32 @!p0 $0x0  }
0x12: {  	s1 =	sld [smem:$0x3F91];
	s0 =	simm.s32 @p0 $0x1  }
0x13: {  	[smem:$0x3FAC] =	sst s0;
	s0 =	simm.s32 @!p1 $0x0  }
0x14: {  	s2 =	sld [smem:$0x3F90];
	s0 =	simm.s32 @p1 $0x1  }
0x15: {  	[smem:$0x3FAD] =	sst s0;
	s0 =	simm.s32 @!p2 $0x0  }
0x16: {  	s3 =	sld [smem:$0x3FDB];
	s0 =	simm.s32 @p2 $0x1  }
0x17: {  	s4 =	simm.s32 $0x1BF5;
	[smem:$0x3FAF] =	sst s0  }
0x18: {  	s0 =	sld [smem:$0x3F92];
	_ =	swait.ge [sflag:s4], $0x0  }
0x19: {  	s7 =	sld [smem:$0x3F93]  }
0x1a: {  	s8 =	sadd.s32 $0xFFFFE003, lr  }
0x1b: {  	s9 =	sadd.s32 $0xFFFFFEF7, lr;
	s5 =	simm.s32 $0xFFFFFFFF;
	p2 =	slt.u32 s8, $0xFFFFF086  }
0x1c: {  	p1 =	slt.u32 s9, $0xF7A;
	s5 =	simm.s32 @!p2 $0x0  }
0x1d: {  	s5 =	simm.s32 @p1 $0x1;
	p0 =	seq.s32 s7, s2  }
0x1e: {  	s7 =	smul.u32 @!p0 $0xF7A, s2;
	p2 =	seq.s32 @!p0 s5, $0x0  }
0x1f: {  	s9 =	smul.u32 $0xF7A, s1;
	s8 =	simm.s32 @!p0 $0x1BF5;
	p2 =	por !p2, p0  }
0x20: {  	[sflag:s8] =	ssyncset.s32 @!p0 $0xFFFFF086;
	s6 =	sadd.s32 @!p0 s3, s7;
	s7 =	simm.s32 @!p0 $0x108  }
0x21: {  	s3 =	sadd.s32 s3, s9;
	s6 =	sadd.s32 @!p0 $0x88, s6;
	s7 =	simm.s32 @p2 $0x1082  }
0x22: {  	[simem:s7], [sflag:s8] =	dma.local @!p0 [hbm:s6], $0xF7A  }
0x23: {  	s9 =	sor.u32 $0xD0000000, s2;
	s6 =	simm.s32 $0x108;
	_ =	swait.ge @!p0 [sflag:s8], $0x0  }
0x24: {  	s3 =	sadd.s32 $0x88, s3;
	s6 =	simm.s32 @!p1 $0x1082;
	[sflag:s4] =	ssyncset.s32 $0xFFFFF086  }
0x25: {  	[simem:s6], [sflag:s4] =	dma.local [hbm:s3], $0xF7A  }
0x26: {  	[smem:$0x3F93] =	sst s1;
	(tag) =	ssettag s2;
	_ =	strace s9  }
0x27: {  	s1 =	sld [smem:$0x3FA3]  }
0x28: {  	s2 =	sld [smem:$0x3FA4]  }
0x29: {  	s4 =	sld [smem:$0x3FA6]  }
0x2a: {  	p0 =	seq.s32 s5, $0x0;
	s5 =	sld [smem:$0x3FA7]  }
0x2b: {  	s6 =	sld [smem:$0x3FA8]  }
0x2c: {  	s7 =	sld [smem:$0x3FA9]  }
0x2d: {  	s3 =	simm.s32 $0x108;
	s8 =	sld [smem:$0x3FAA]  }
0x2e: {  	s3 =	simm.s32 @!p0 $0x1082;
	s9 =	sld [smem:$0x3FAB]  }
0x2f: {  	lr =	sadd.s32 s0, s3;
	s0 =	sld [smem:$0x3FA2]  }
0x30: {  	s3 =	sld [smem:$0x3FA5]  }
0x31: {  	[smem:$0x3FAE] =	sst s10  }
0x32: {  	s10 =	sld [smem:$0x3FAC];
	_ =	sdelay $0x3  }
0x33: {  	p0 =	seq.s32 s10, $0x1;
	s10 =	sld [smem:$0x3FAE];
	_ =	sdelay $0x3  }
0x34: {  	[smem:$0x3FAE] =	sst s10  }
0x35: {  	s10 =	sld [smem:$0x3FAD];
	_ =	sdelay $0x3  }
0x36: {  	p1 =	seq.s32 s10, $0x1;
	s10 =	sld [smem:$0x3FAE];
	_ =	sdelay $0x3  }
0x37: {  	[smem:$0x3FAE] =	sst s10  }
0x38: {  	s10 =	sld [smem:$0x3FAF]  }
0x39: {  	_ = 	snop;
	(pc) =	sbr.ind lr, $3  }
0x3a: {  	_ = 	snop  }
0x3b: {  	_ = 	snop  }
0x3c: {  	p2 =	seq.s32 s10, $0x1;
	s10 =	sld [smem:$0x3FAE]  }
0x3d: {  	_ =	shalt  }
0x3e: {  	_ =	shalt  }
0x3f: {  	_ =	shalt  }
0x40: {  	_ =	shalt  }
0x41: {  	_ =	shalt  }
0x42: {  	_ =	shalt  }
0x43: {  	_ =	shalt  }
0x44: {  	_ =	shalt  }
0x45: {  	_ =	shalt  }
0x46: {  	_ =	shalt  }
0x47: {  	_ =	shalt  }
0x48: {  	_ =	shalt  }
0x49: {  	_ =	shalt  }
0x4a: {  	_ =	shalt  }
0x4b: {  	_ =	shalt  }
0x4c: {  	_ =	shalt  }
0x4d: {  	_ =	shalt  }
0x4e: {  	_ =	shalt  }
0x4f: {  	_ =	shalt  }
0x50: {  	_ =	shalt  }
0x51: {  	_ =	shalt  }
0x52: {  	_ =	shalt  }
0x53: {  	_ =	shalt  }
0x54: {  	_ =	shalt  }
0x55: {  	_ =	shalt  }
0x56: {  	_ =	shalt  }
0x57: {  	_ =	shalt  }
0x58: {  	_ =	shalt  }
0x59: {  	_ =	shalt  }
0x5a: {  	_ =	shalt  }
0x5b: {  	_ =	shalt  }
0x5c: {  	_ =	shalt  }
0x5d: {  	_ =	shalt  }
0x5e: {  	_ =	shalt  }
0x5f: {  	_ =	shalt  }
0x60: {  	_ =	shalt  }
0x61: {  	_ =	shalt  }
0x62: {  	_ =	shalt  }
0x63: {  	_ =	shalt  }
0x64: {  	_ =	shalt  }
0x65: {  	_ =	shalt  }
0x66: {  	_ =	shalt  }
0x67: {  	_ =	shalt  }
0x68: {  	_ =	shalt  }
0x69: {  	_ =	shalt  }
0x6a: {  	_ =	shalt  }
0x6b: {  	_ =	shalt  }
0x6c: {  	_ =	shalt  }
0x6d: {  	_ =	shalt  }
0x6e: {  	_ =	shalt  }
0x6f: {  	_ =	shalt  }
0x70: {  	_ =	shalt  }
0x71: {  	_ =	shalt  }
0x72: {  	_ =	shalt  }
0x73: {  	_ =	shalt  }
0x74: {  	_ =	shalt  }
0x75: {  	_ =	shalt  }
0x76: {  	_ =	shalt  }
0x77: {  	_ =	shalt  }
0x78: {  	_ =	shalt  }
0x79: {  	_ =	shalt  }
0x7a: {  	_ =	shalt  }
0x7b: {  	_ =	shalt  }
0x7c: {  	_ =	shalt  }
0x7d: {  	_ =	shalt  }
0x7e: {  	_ =	shalt  }
0x7f: {  	_ =	shalt  }
0x80: {  	_ =	shalt  }
0x81: {  	_ =	shalt  }
0x82: {  	_ =	shalt  }
0x83: {  	_ =	shalt  }
0x84: {  	_ =	shalt  }
0x85: {  	_ =	shalt  }
0x86: {  	_ =	shalt  }
0x87: {  	_ =	shalt  }
.Lfunc_end0:
.L_simem_size_0:
called_computation.2_lowered:
.L_overlay_start_0:
0x88: {  	s2 =	sld [smem:$0x3FD9]  }
0x89: {  	s3 =	sld [smem:$0x3FFE];
	_ =	sdelay $0x1  }
0x8a: {  	s1 =	srdreg.scid  }
0x8b: {  	s0 =	sand.u32 $0x1, s1  }
0x8c: {  	s16 =	sshll.u32 s0, $0xA;
	s2 =	sadd.s32 s3, s2  }
0x8d: {  	s2 =	sadd.s32 s2, s16  }
0x8e: {  	[smem:$0x3FBA] =	sst s2  }
0x8f: {  	_ = 	snop  }
0x90: {  	(tm) =	ssettm $0x1  }
0x91: {  	s17 =	sld [smem:$0x3FFB];
	_ =	sdelay $0x3  }
0x92: {  	_ =	strace s17  }
0x93: {  	s2 =	sld [smem:$0x3FFC];
	_ =	sdelay $0x3  }
0x94: {  	_ =	strace s2  }
0x95: {  	s2 =	sld [smem:$0x3FFD];
	_ =	sdelay $0x3  }
0x96: {  	_ =	strace s2  }
0x97: {  	_ =	strace $0x8FFFFFFF  }
0x98: {  	s18 =	sld [smem:$0x3FDB];
	_ =	sdelay $0x1  }
0x99: {  	s19 =	simm.s32 $_scs_section_size  }
0x9a: {  	s4 =	simm.s32 $_size__tile_overlayer_lowered;
	s5 =	simm.s32 $_tile_overlayer_lowered  }
0x9b: {  	s22 =	simm.s32 $0x1BFF;
	s21 =	sshll.u32 s5, $0x1;
	s2 =	sadd.s32 s19, s18  }
0x9c: {  	s6 =	simm.s32 $0x0;
	s20 =	sshll.u32 s4, $0x1;
	s4 =	sadd.s32 s21, s2  }
0x9d: {  	[timem:s6], [sflag:s22] =	dma.local [hbm:s4], s20  }
0x9e: {  	_ =	swait.ge [sflag:s22], s20  }
0x9f: {  	s3 =	ssub.s32 $0x0, s20;
	[sflag:s22] =	ssyncset.done $0x0  }
0xa0: {  	[sflag:s22] =	ssyncadd.s32 s3;
	_ =	sdelay $0x1  }
0xa1: {  	s23 =	simm.s32 $0x1B8B  }
0xa2: {  	_ =	swait.ge [sflag:s23], $0x1  }
0xa3: {  	[sflag:s23] =	ssyncset.done $0x0  }
0xa4: {  	s25 =	simm.s32 $0x1B8E;
	s24 =	sld [smem:$0x3FFE];
	[sflag:s23] =	ssyncadd.s32 $0xFFFFFFFF  }
0xa5: {  	s26 =	simm.s32 $execute0_lowered;
	[smem:$0x3FD2] =	sst s25  }
0xa6: {  	s4 =	sshll.u32 s26, $0x1;
	_ =	strace $0x8000004C;
	[dreg:$0x1] =	wrdreg $0xFFFFFFFF  }
0xa7: {  	s28 =	simm.s32 $_size_execute0_lowered;
	s2 =	sadd.s32 s2, s4;
	[dreg:$0x0] =	wrdreg $0x0  }
0xa8: {  	s4 =	sshll.u32 s28, $0x1;
	[dreg:$0x2] =	wrdreg s2  }
0xa9: {  	[dreg:$0x3] =	wrdreg s4  }
0xaa: {  	[dreg:$0x4] =	wrdreg $0xC0  }
0xab: {  	_ =	task [dreg:s6], $0x5FFFF  }
0xac: {  	[dreg:$0x1] =	wrdreg $0xFFFFFFFF  }
0xad: {  	[dreg:$0x0] =	wrdreg $0x60  }
0xae: {  	[dreg:$0x2] =	wrdreg s24  }
0xaf: {  	[dreg:$0x3] =	wrdreg $0x77100  }
0xb0: {  	[dreg:$0x4] =	wrdreg $0x9  }
0xb1: {  	_ =	task.clear_ibuf [dreg:s6], $0x5FFFF;
	_ =	strace $0x9000004C  }
0xb2: {  	s29 =	simm.s32 $0x9;
	_ =	strace $0x8000004E  }
0xb3: {  	_ =	swait.ge [sflag:s29], $0x1  }
0xb4: {  	[sflag:s29] =	ssyncadd.s32 $0xFFFFFFFF  }
0xb5: {  	_ =	strace $0x9000004E  }
0xb6: {  	_ =	sfence  }
0xb7: {  	s30 =	sld [smem:$0x0];
	_ =	sdelay $0x2  }
0xb8: {  	s31 =	sshll.u32 s1, $0xD;
	s1 =	sshrl.u32 s1, $0x2  }
0xb9: {  	s3 =	sand.u32 $0x4000, s31;
	s1 =	sadd.s32 s1, s30  }
0xba: {  	s0 =	sor.u32 s3, s0;
	s1 =	sshll.u32 s1, $0x11  }
0xbb: {  	s0 =	sor.u32 s1, s0  }
0xbc: {  	s0 =	sadd.s32 $0x8F2B, s0  }
0xbd: {  	[sflag:s0] =	ssyncadd.remote.s32 $0x1  }
0xbe: {  	_ =	sfence.sel $0xFFFF  }
0xbf: {  	[dreg:$0x0] =	wrdreg $0xFFFFFFFF;
	(pc) =	sbr.abs _section_cstart, $3  }
0xc0: {  	[dreg:$0x1] =	wrdreg $0xFFFFFFFF  }
0xc1: {  	_ =	task.clear_ibuf [dreg:s6], $0x2FFFF;
	_ =	strace $0x9FFFFFFF  }
0xc2: {  	(tm) =	ssettm $0x7FFFFFFF  }
0xc3: {  	_ =	shalt  }
tec
execute0_lowered:
.L_overlay_start_1:
0x0: {  	(tag) =	ssettag $0x1  }
0x1: {  	s6 =	rddreg [dreg:$0x0]  }
0x2: {  	s0 =	srdreg.scid;
	s3 =	rddreg [dreg:$0x1];
	s4 =	simm.s32 $0x0  }
0x3: {  	s18 =	simm.s32 $0x4F10;
	s19 =	simm.s32 $0x5;
	s20 =	simm.s32 $0x50  }
0x4: {  	s21 =	simm.s32 $0x6310;
	s22 =	simm.s32 $0x4;
	s23 =	simm.s32 $0x1  }
0x5: {  	s24 =	simm.s32 $0x3;
	s1 =	sand.u32 $0x1, s0;
	s0 =	stileid.u32  }
0x6: {  	s25 =	simm.s32 $0x2;
	s26 =	simm.s32 $0x0;
	s8 =	smul.u32 $0xA000, s0  }
0x7: {  	[smem:$0x7FF] =	sst s4;
	s2 =	sshll.u32 s1, $0x4;
	s9 =	smul.u32 $0xA0000, s1  }
0x8: {  	s10 =	smul.u32 $0x28000, s0;
	s31 =	ssub.s32 $0x2, s1;
	s2 =	sor.u32 s0, s2  }
0x9: {  	s5 =	sadd.s32 $0x1FA00, s6;
	s11 =	sshrl.u32 s31, $0x1;
	s7 =	smul.u32 $0x4EC, s2  }
0xa: {  	s2 =	rddreg [dreg:$0x2];
	_ =	strace $0x8000004D;
	s10 =	sshrl.u32 s10, $0x2  }
0xb: {  	s30 =	sadd.s32 s8, s9;
	s17 =	ssub.s32 s31, s11;
	s13 =	sadd.s32 s10, s3  }
0xc: {  	s17 =	smax.u32 s17, $0x1;
	s15 =	sadd.s32 s7, s6;
	s7 =	sshrl.u32 s30, $0x3  }
0xd: {  	s9 =	sadd.s32 $0x3C00, s13;
	s10 =	sadd.s32 $0x5000, s13;
	s11 =	sadd.s32 $0x6400, s13  }
0xe: {  	s12 =	sadd.s32 $0x7800, s13;
	s16 =	sadd.s32 s7, s6;
	s6 =	sadd.s32 s8, s3  }
0xf: {  	s7 =	sadd.s32 $0x1400, s13;
	s8 =	sadd.s32 $0x2800, s13;
	s13 =	sadd.s32 $0x8C00, s13  }
0x10: {  	v0 =	vimm.f32 $0.0e+00;
	v1 =	vimm.s32 $0x0;
	s14 =	sadd.s32 $0x15C00, s15;
	s15 =	sadd.s32 $0x1E00, s15;
	s16 =	sadd.s32 $0x33400, s16  }
.LBB2_1:
0x11: {  	s28 =	simm.s32 $0x0;
	s29 =	simm.s32 $0x0  }
.LBB2_2:
0x12: {  	p0 =	sne.s32 s29, $0x4FC0  }
.Ltmp0:
0x13: {  	_ = 	snop;
	(pc) =	sbr.rel @p0 .LBB2_2-.Ltmp0, $4  }
0x14: {  	s30 =	sand.u32 $0x7F00, s29  }
0x15: {  	s31 =	sand.u32 $0x30, s28;
	s30 =	sshrl.u32 s30, $0x2  }
0x16: {  	s30 =	sor.u32 s31, s30  }
0x17: {  	s28 =	sadd.s32 $0x10, s28;
	s29 =	sadd.s32 $0x40, s29;
	[tilespmem:s30+$0x4F10] =	vst v0  }
0x18: {  	s28 =	simm.s32 $0x0  }
0x19: {  	s29 =	sand.u32 $0x7F00, s28  }
0x1a: {  	s30 =	sand.u32 $0x30, s28;
	s31 =	sshrl.u32 s29, $0x2  }
0x1b: {  	s29 =	simm.s32 $0x40;
	s30 =	sor.u32 s30, s31  }
.LBB2_4:
0x1c: {  	p0 =	sne.s32 s29, $0x4FC0  }
0x1d: {  	[tilespmem:s30+$0x6310] =	vst v0;
	s28 =	sadd.s32 $0x10, s28;
	s30 =	smov.u32 s29;
	s29 =	sadd.s32 $0x40, s29  }
.Ltmp1:
0x1e: {  	(pc) =	sbr.rel @p0 .LBB2_4-.Ltmp1, $4  }
0x1f: {  	_ = 	snop  }
0x20: {  	s30 =	sand.u32 $0x7F00, s30  }
0x21: {  	s31 =	sand.u32 $0x30, s28;
	s30 =	sshrl.u32 s30, $0x2  }
0x22: {  	s30 =	sor.u32 s31, s30  }
0x23: {  	[tilespmem:s30+$0x6310] =	vst v0  }
0x24: {  	[spmem:s6] =	stream.linear.scatter [tilespmem:s18], [sflag:$0x5], $0x1400, $0x38;
	[tilespmem:$0x11710] =	vst v63  }
0x25: {  	_ =	swait.ge [sflag:s19], $0x1400  }
0x26: {  	[sflag:s19] =	ssyncset.done $0x0  }
0x27: {  	[sflag:s19] =	ssyncadd.s32 $0xFFFFEC00  }
0x28: {  	[spmem:s7] =	stream.linear.scatter [tilespmem:s18], [sflag:$0x5], $0x1400, $0x38;
	[tilespmem:$0x11710] =	vst v63  }
0x29: {  	_ =	swait.ge [sflag:s19], $0x1400  }
0x2a: {  	[sflag:s19] =	ssyncset.done $0x0  }
0x2b: {  	[sflag:s19] =	ssyncadd.s32 $0xFFFFEC00  }
0x2c: {  	[spmem:s8] =	stream.linear.scatter [tilespmem:s18], [sflag:$0x5], $0x1400, $0x38;
	[tilespmem:$0x11710] =	vst v63  }
0x2d: {  	_ =	swait.ge [sflag:s19], $0x1400  }
0x2e: {  	[sflag:s19] =	ssyncset.done $0x0  }
0x2f: {  	[sflag:s19] =	ssyncadd.s32 $0xFFFFEC00  }
0x30: {  	[spmem:s9] =	stream.linear.scatter [tilespmem:s18], [sflag:$0x5], $0x1400, $0x38;
	[tilespmem:$0x11710] =	vst v63  }
0x31: {  	_ =	swait.ge [sflag:s19], $0x1400  }
0x32: {  	[sflag:s19] =	ssyncset.done $0x0  }
0x33: {  	[sflag:s19] =	ssyncadd.s32 $0xFFFFEC00  }
0x34: {  	[spmem:s10] =	stream.linear.scatter [tilespmem:s18], [sflag:$0x5], $0x1400, $0x38;
	[tilespmem:$0x11710] =	vst v63  }
0x35: {  	_ =	swait.ge [sflag:s19], $0x1400  }
0x36: {  	[sflag:s19] =	ssyncset.done $0x0  }
0x37: {  	[sflag:s19] =	ssyncadd.s32 $0xFFFFEC00  }
0x38: {  	[spmem:s11] =	stream.linear.scatter [tilespmem:s18], [sflag:$0x5], $0x1400, $0x38;
	[tilespmem:$0x11710] =	vst v63  }
0x39: {  	_ =	swait.ge [sflag:s19], $0x1400  }
0x3a: {  	[sflag:s19] =	ssyncset.done $0x0  }
0x3b: {  	[sflag:s19] =	ssyncadd.s32 $0xFFFFEC00  }
0x3c: {  	[spmem:s12] =	stream.linear.scatter [tilespmem:s18], [sflag:$0x5], $0x1400, $0x38;
	[tilespmem:$0x11710] =	vst v63  }
0x3d: {  	_ =	swait.ge [sflag:s19], $0x1400  }
0x3e: {  	[sflag:s19] =	ssyncset.done $0x0  }
0x3f: {  	[sflag:s19] =	ssyncadd.s32 $0xFFFFEC00  }
0x40: {  	[spmem:s13] =	stream.linear.scatter [tilespmem:s18], [sflag:$0x5], $0x1400, $0x38;
	[tilespmem:$0x11710] =	vst v63  }
0x41: {  	_ =	swait.ge [sflag:s19], $0x1400  }
0x42: {  	[sflag:s19] =	ssyncset.done $0x0  }
0x43: {  	[sflag:s19] =	ssyncadd.s32 $0xFFFFEC00  }
0x44: {  	[bflag:$0x0] =	sbarrier.arrive $0xFFFF  }
0x45: {  	[tilespmem:s4], [sflag:$0x5] =	stream.linear.gather [hbm4b:s14+s4], $0x2760, $0x38;
	[tilespmem:$0x11710] =	vst v63  }
0x46: {  	_ =	swait.ge [sflag:s19], $0x2760  }
0x47: {  	[sflag:s19] =	ssyncset.done $0x0  }
0x48: {  	[sflag:s19] =	ssyncadd.s32 $0xFFFFD8A0  }
0x49: {  	[tilespmem:$0x2760] =	vst v1  }
0x4a: {  	[tilespmem:$0x2770] =	vst v1  }
0x4b: {  	[tilespmem:$0x2780] =	vst v1  }
0x4c: {  	[tilespmem:$0x2790] =	vst v1  }
0x4d: {  	s28 =	simm.s32 $0x27B0;
	[tilespmem:$0x27A0] =	vst v1  }
0x4e: {  	[tilespmem:s28], [sflag:$0x5] =	stream.linear.gather [hbm4b:s15+s4], $0x2760, $0x38;
	[tilespmem:$0x11710] =	vst v63  }
0x4f: {  	_ =	swait.ge [sflag:s19], $0x2760  }
0x50: {  	[sflag:s19] =	ssyncset.done $0x0  }
0x51: {  	[sflag:s19] =	ssyncadd.s32 $0xFFFFD8A0  }
0x52: {  	[spmem:s3] =	stream.indirect.scatter.add.f32 [tilespmem:s21], [sflag:$0x4], $0x40, s28, s20, $0xb8;
	[tilespmem:$0x11710] =	vst v63  }
0x53: {  	s29 =	simm.s32 $0x1;
	s30 =	simm.s32 $0xA0  }
0x54: {  	[tilespmem:s18], [sflag:$0x1] =	stream.indirect.gather [hbm4b:s5+s20], $0x40, s4, s20, $0xb8;
	[tilespmem:$0x11710] =	vst v63  }
.LBB2_6:
0x55: {  	_ =	swait.ge [sflag:s22], $0x1400  }
0x56: {  	[sflag:s22] =	ssyncset.done $0x0  }
0x57: {  	s31 =	sadd.s32 $0xFFFFFFB0, s30;
	[sflag:s22] =	ssyncadd.s32 $0xFFFFEC00  }
0x58: {  	[tilespmem:s21], [sflag:$0x2] =	stream.indirect.gather [hbm4b:s5+s20], $0x40, s31, s20, $0xb8;
	[tilespmem:$0x11710] =	vst v63  }
0x59: {  	_ =	swait.ge [sflag:s23], $0x1400  }
0x5a: {  	[sflag:s23] =	ssyncset.done $0x0  }
0x5b: {  	[sflag:s23] =	ssyncadd.s32 $0xFFFFEC00  }
0x5c: {  	[spmem:s3] =	stream.indirect.scatter.add.f32 [tilespmem:s18], [sflag:$0x3], $0x40, s28, s20, $0xb8;
	[tilespmem:$0x11710] =	vst v63  }
0x5d: {  	_ =	swait.ge [sflag:s24], $0x1400  }
0x5e: {  	[sflag:s24] =	ssyncset.done $0x0  }
0x5f: {  	[sflag:s24] =	ssyncadd.s32 $0xFFFFEC00  }
0x60: {  	[tilespmem:s18], [sflag:$0x1] =	stream.indirect.gather [hbm4b:s5+s20], $0x40, s30, s20, $0xb8;
	[tilespmem:$0x11710] =	vst v63  }
0x61: {  	_ =	swait.ge [sflag:s25], $0x1400  }
0x62: {  	[sflag:s25] =	ssyncset.done $0x0  }
0x63: {  	s31 =	sadd.s32 $0x50, s28;
	[sflag:s25] =	ssyncadd.s32 $0xFFFFEC00  }
0x64: {  	[spmem:s3] =	stream.indirect.scatter.add.f32 [tilespmem:s21], [sflag:$0x4], $0x40, s31, s20, $0xb8;
	[tilespmem:$0x11710] =	vst v63  }
0x65: {  	s31 =	sxor.u32 s29, s1  }
0x66: {  	p0 =	sne.s32 s31, $0x3F  }
.Ltmp2:
0x67: {  	_ = 	snop;
	(pc) =	sbr.rel @p0 .LBB2_6-.Ltmp2, $2  }
0x68: {  	_ =	sdelay $0x2  }
0x69: {  	s28 =	sadd.s32 $0xA0, s28;
	s30 =	sadd.s32 $0xA0, s30;
	s29 =	sadd.s32 $0x1, s29  }
0x6a: {  	_ =	swait.ge [sflag:s22], $0x1400  }
0x6b: {  	[sflag:s22] =	ssyncset.done $0x0  }
0x6c: {  	[sflag:s22] =	ssyncadd.s32 $0xFFFFEC00  }
0x6d: {  	_ =	swait.ge [sflag:s23], $0x1400  }
0x6e: {  	s28 =	sshll.u32 s0, $0x6;
	s26 =	sadd.s32 $0x1, s26;
	[sflag:s23] =	ssyncset.done $0x0  }
0x6f: {  	s29 =	sshrl.u32 s6, $0x3;
	p0 =	sne.s32 s26, s17;
	[sflag:s23] =	ssyncadd.s32 $0xFFFFEC00  }
.Ltmp3:
0x70: {  	s28 =	sor.u32 $0x1C05, s28;
	[bflag:$0x0] =	sbarrier.arrive $0xFFFF;
	(pc) =	sbr.rel @p0 .LBB2_1-.Ltmp3, $4  }
0x71: {  	[hbm:s16], [sflag:s28] =	dma.local [spmem:s29], $0x1400  }
0x72: {  	_ =	swait.ge [sflag:s19], $0x1400  }
0x73: {  	[sflag:s19] =	ssyncset.done $0x0  }
0x74: {  	[sflag:s19] =	ssyncadd.s32 $0xFFFFEC00  }
0x75: {  	_ =	sfence.sel $0x180000  }
0x76: {  	[bflag:$0x0] =	sbarrier.arrive $0xFFFF  }
0x77: {  	p0 =	sne.s32 s0, $0x0;
	_ =	strace $0x9000004D  }
0x78: {  	s0 =	sadd.s32 @!p0 $0x100000, s2;
	[bflag:$0x2] =	sbarrier.arrive $0xFFFF  }
0x79: {  	[sflag:s0] =	ssyncadd.tile.s32 @!p0 $0x1;
	_ =	shalt  }
.Lfunc_end2:
_tile_overlayer_lowered:
.L_overlay_start_2:
0x7a: {  	(tag) =	ssettag $0x2  }
0x7b: {  	s0 =	rddreg [dreg:$0x0];
	s2 =	stileid.u32  }
0x7c: {  	s1 =	rddreg [dreg:$0x1];
	p0 =	sne.s32 s2, $0x0  }
0x7d: {  	s3 =	rddreg [dreg:$0x2];
	[bflag:$0x3] =	sbarrier.arrive $0xFFFF;
	s2 =	simm.s32 @!p0 $0x1C05  }
0x7e: {  	[timem:s3], [sflag:s2] =	dma.local @!p0 [hbm:s0], s1  }
0x7f: {  	s0 =	simm.s32 @!p0 $0x5  }
0x80: {  	_ =	swait.ge @!p0 [sflag:s0], s1  }
0x81: {  	s1 =	ssub.s32 @!p0 $0x0, s1;
	[sflag:s0] =	ssyncset.done @!p0 $0x0  }
0x82: {  	[sflag:s0] =	ssyncadd.s32 @!p0 s1  }
0x83: {  	[bflag:$0x3] =	sbarrier.arrive $0xFFFF  }
0x84: {  	_ =	shalt  }

// kernel: kernel.7.cloned.1.call-start
scs
__scs_entry_jumppad:
0x0: {  	(pc) =	sbr.rel $0x88, $3  }
0x1: {  	(tag) =	ssettag $0x0;
	lr =	simm.s32 $0x1  }
0x2: {  	[smem:$0x3F93] =	sst lr;
	_ =	strace $0xD0000000  }
0x3: {  	_ = 	snop  }
0x4: {  	_ = 	snop  }
0x5: {  	_ = 	snop  }
0x6: {  	_ = 	snop  }
0x7: {  	_ = 	snop  }
__scs_overlays_trampoline_lowered:
0x8: {  	[smem:$0x3FA2] =	sst s0  }
0x9: {  	[smem:$0x3FA3] =	sst s1  }
0xa: {  	[smem:$0x3FA4] =	sst s2  }
0xb: {  	[smem:$0x3FA5] =	sst s3  }
0xc: {  	[smem:$0x3FA6] =	sst s4  }
0xd: {  	[smem:$0x3FA7] =	sst s5  }
0xe: {  	[smem:$0x3FA8] =	sst s6  }
0xf: {  	[smem:$0x3FA9] =	sst s7  }
0x10: {  	[smem:$0x3FAA] =	sst s8  }
0x11: {  	[smem:$0x3FAB] =	sst s9;
	s0 =	simm.s32 @!p0 $0x0  }
0x12: {  	s1 =	sld [smem:$0x3F91];
	s0 =	simm.s32 @p0 $0x1  }
0x13: {  	[smem:$0x3FAC] =	sst s0;
	s0 =	simm.s32 @!p1 $0x0  }
0x14: {  	s2 =	sld [smem:$0x3F90];
	s0 =	simm.s32 @p1 $0x1  }
0x15: {  	[smem:$0x3FAD] =	sst s0;
	s0 =	simm.s32 @!p2 $0x0  }
0x16: {  	s3 =	sld [smem:$0x3FDB];
	s0 =	simm.s32 @p2 $0x1  }
0x17: {  	s4 =	simm.s32 $0x1BF5;
	[smem:$0x3FAF] =	sst s0  }
0x18: {  	s0 =	sld [smem:$0x3F92];
	_ =	swait.ge [sflag:s4], $0x0  }
0x19: {  	s7 =	sld [smem:$0x3F93]  }
0x1a: {  	s8 =	sadd.s32 $0xFFFFE003, lr  }
0x1b: {  	s9 =	sadd.s32 $0xFFFFFEF7, lr;
	s5 =	simm.s32 $0xFFFFFFFF;
	p2 =	slt.u32 s8, $0xFFFFF086  }
0x1c: {  	p1 =	slt.u32 s9, $0xF7A;
	s5 =	simm.s32 @!p2 $0x0  }
0x1d: {  	s5 =	simm.s32 @p1 $0x1;
	p0 =	seq.s32 s7, s2  }
0x1e: {  	s7 =	smul.u32 @!p0 $0xF7A, s2;
	p2 =	seq.s32 @!p0 s5, $0x0  }
0x1f: {  	s9 =	smul.u32 $0xF7A, s1;
	s8 =	simm.s32 @!p0 $0x1BF5;
	p2 =	por !p2, p0  }
0x20: {  	[sflag:s8] =	ssyncset.s32 @!p0 $0xFFFFF086;
	s6 =	sadd.s32 @!p0 s3, s7;
	s7 =	simm.s32 @!p0 $0x108  }
0x21: {  	s3 =	sadd.s32 s3, s9;
	s6 =	sadd.s32 @!p0 $0x88, s6;
	s7 =	simm.s32 @p2 $0x1082  }
0x22: {  	[simem:s7], [sflag:s8] =	dma.local @!p0 [hbm:s6], $0xF7A  }
0x23: {  	s9 =	sor.u32 $0xD0000000, s2;
	s6 =	simm.s32 $0x108;
	_ =	swait.ge @!p0 [sflag:s8], $0x0  }
0x24: {  	s3 =	sadd.s32 $0x88, s3;
	s6 =	simm.s32 @!p1 $0x1082;
	[sflag:s4] =	ssyncset.s32 $0xFFFFF086  }
0x25: {  	[simem:s6], [sflag:s4] =	dma.local [hbm:s3], $0xF7A  }
0x26: {  	[smem:$0x3F93] =	sst s1;
	(tag) =	ssettag s2;
	_ =	strace s9  }
0x27: {  	s1 =	sld [smem:$0x3FA3]  }
0x28: {  	s2 =	sld [smem:$0x3FA4]  }
0x29: {  	s4 =	sld [smem:$0x3FA6]  }
0x2a: {  	p0 =	seq.s32 s5, $0x0;
	s5 =	sld [smem:$0x3FA7]  }
0x2b: {  	s6 =	sld [smem:$0x3FA8]  }
0x2c: {  	s7 =	sld [smem:$0x3FA9]  }
0x2d: {  	s3 =	simm.s32 $0x108;
	s8 =	sld [smem:$0x3FAA]  }
0x2e: {  	s3 =	simm.s32 @!p0 $0x1082;
	s9 =	sld [smem:$0x3FAB]  }
0x2f: {  	lr =	sadd.s32 s0, s3;
	s0 =	sld [smem:$0x3FA2]  }
0x30: {  	s3 =	sld [smem:$0x3FA5]  }
0x31: {  	[smem:$0x3FAE] =	sst s10  }
0x32: {  	s10 =	sld [smem:$0x3FAC];
	_ =	sdelay $0x3  }
0x33: {  	p0 =	seq.s32 s10, $0x1;
	s10 =	sld [smem:$0x3FAE];
	_ =	sdelay $0x3  }
0x34: {  	[smem:$0x3FAE] =	sst s10  }
0x35: {  	s10 =	sld [smem:$0x3FAD];
	_ =	sdelay $0x3  }
0x36: {  	p1 =	seq.s32 s10, $0x1;
	s10 =	sld [smem:$0x3FAE];
	_ =	sdelay $0x3  }
0x37: {  	[smem:$0x3FAE] =	sst s10  }
0x38: {  	s10 =	sld [smem:$0x3FAF]  }
0x39: {  	_ = 	snop;
	(pc) =	sbr.ind lr, $3  }
0x3a: {  	_ = 	snop  }
0x3b: {  	_ = 	snop  }
0x3c: {  	p2 =	seq.s32 s10, $0x1;
	s10 =	sld [smem:$0x3FAE]  }
0x3d: {  	_ =	shalt  }
0x3e: {  	_ =	shalt  }
0x3f: {  	_ =	shalt  }
0x40: {  	_ =	shalt  }
0x41: {  	_ =	shalt  }
0x42: {  	_ =	shalt  }
0x43: {  	_ =	shalt  }
0x44: {  	_ =	shalt  }
0x45: {  	_ =	shalt  }
0x46: {  	_ =	shalt  }
0x47: {  	_ =	shalt  }
0x48: {  	_ =	shalt  }
0x49: {  	_ =	shalt  }
0x4a: {  	_ =	shalt  }
0x4b: {  	_ =	shalt  }
0x4c: {  	_ =	shalt  }
0x4d: {  	_ =	shalt  }
0x4e: {  	_ =	shalt  }
0x4f: {  	_ =	shalt  }
0x50: {  	_ =	shalt  }
0x51: {  	_ =	shalt  }
0x52: {  	_ =	shalt  }
0x53: {  	_ =	shalt  }
0x54: {  	_ =	shalt  }
0x55: {  	_ =	shalt  }
0x56: {  	_ =	shalt  }
0x57: {  	_ =	shalt  }
0x58: {  	_ =	shalt  }
0x59: {  	_ =	shalt  }
0x5a: {  	_ =	shalt  }
0x5b: {  	_ =	shalt  }
0x5c: {  	_ =	shalt  }
0x5d: {  	_ =	shalt  }
0x5e: {  	_ =	shalt  }
0x5f: {  	_ =	shalt  }
0x60: {  	_ =	shalt  }
0x61: {  	_ =	shalt  }
0x62: {  	_ =	shalt  }
0x63: {  	_ =	shalt  }
0x64: {  	_ =	shalt  }
0x65: {  	_ =	shalt  }
0x66: {  	_ =	shalt  }
0x67: {  	_ =	shalt  }
0x68: {  	_ =	shalt  }
0x69: {  	_ =	shalt  }
0x6a: {  	_ =	shalt  }
0x6b: {  	_ =	shalt  }
0x6c: {  	_ =	shalt  }
0x6d: {  	_ =	shalt  }
0x6e: {  	_ =	shalt  }
0x6f: {  	_ =	shalt  }
0x70: {  	_ =	shalt  }
0x71: {  	_ =	shalt  }
0x72: {  	_ =	shalt  }
0x73: {  	_ =	shalt  }
0x74: {  	_ =	shalt  }
0x75: {  	_ =	shalt  }
0x76: {  	_ =	shalt  }
0x77: {  	_ =	shalt  }
0x78: {  	_ =	shalt  }
0x79: {  	_ =	shalt  }
0x7a: {  	_ =	shalt  }
0x7b: {  	_ =	shalt  }
0x7c: {  	_ =	shalt  }
0x7d: {  	_ =	shalt  }
0x7e: {  	_ =	shalt  }
0x7f: {  	_ =	shalt  }
0x80: {  	_ =	shalt  }
0x81: {  	_ =	shalt  }
0x82: {  	_ =	shalt  }
0x83: {  	_ =	shalt  }
0x84: {  	_ =	shalt  }
0x85: {  	_ =	shalt  }
0x86: {  	_ =	shalt  }
0x87: {  	_ =	shalt  }
.Lfunc_end0:
.L_simem_size_0:
called_computation_lowered:
.L_overlay_start_0:
0x88: {  	s2 =	sld [smem:$0x3FD9]  }
0x89: {  	s3 =	sld [smem:$0x3FFE];
	_ =	sdelay $0x1  }
0x8a: {  	s1 =	srdreg.scid  }
0x8b: {  	s0 =	sand.u32 $0x1, s1  }
0x8c: {  	s17 =	sshll.u32 s0, $0xA;
	s2 =	sadd.s32 s3, s2  }
0x8d: {  	s2 =	sadd.s32 s2, s17  }
0x8e: {  	[smem:$0x3FBA] =	sst s2  }
0x8f: {  	_ = 	snop  }
0x90: {  	s18 =	sld [smem:$0x3FC9];
	(tm) =	ssettm $0x1  }
0x91: {  	s19 =	sld [smem:$0x3FFB];
	_ =	sdelay $0x3  }
0x92: {  	_ =	strace s19  }
0x93: {  	s2 =	sld [smem:$0x3FFC];
	_ =	sdelay $0x3  }
0x94: {  	_ =	strace s2  }
0x95: {  	s2 =	sld [smem:$0x3FFD];
	_ =	sdelay $0x3  }
0x96: {  	_ =	strace s2  }
0x97: {  	_ =	strace $0x8FFFFFFF  }
0x98: {  	s20 =	sld [smem:$0x3FDB];
	_ =	sdelay $0x1  }
0x99: {  	s4 =	simm.s32 $_scs_section_size  }
0x9a: {  	s5 =	simm.s32 $_size__tile_overlayer_lowered;
	s6 =	simm.s32 $_tile_overlayer_lowered  }
0x9b: {  	s7 =	simm.s32 $0x1BFF;
	s21 =	sshll.u32 s6, $0x1;
	s4 =	sadd.s32 s4, s20  }
0x9c: {  	s22 =	simm.s32 $0x0;
	s5 =	sshll.u32 s5, $0x1;
	s6 =	sadd.s32 s21, s4  }
0x9d: {  	[timem:s22], [sflag:s7] =	dma.local [hbm:s6], s5  }
0x9e: {  	_ =	swait.ge [sflag:s7], s5  }
0x9f: {  	s5 =	ssub.s32 $0x0, s5;
	[sflag:s7] =	ssyncset.done $0x0  }
0xa0: {  	[sflag:s7] =	ssyncadd.s32 s5;
	_ =	sdelay $0x1  }
0xa1: {  	s23 =	simm.s32 $0x1B8B  }
0xa2: {  	_ =	swait.ge [sflag:s23], $0x1  }
0xa3: {  	[sflag:s23] =	ssyncset.done $0x0  }
0xa4: {  	[sflag:s23] =	ssyncadd.s32 $0xFFFFFFFF  }
0xa5: {  	s5 =	sld [smem:$0x0]  }
0xa6: {  	s6 =	sand.u32 $0xFFFFFFFE, s1  }
0xa7: {  	p0 =	sne.s32 s1, s6  }
0xa8: {  	s6 =	sshll.u32 @p0 s6, $0xE  }
0xa9: {  	s6 =	sadd.s32 @p0 $0x11B8D, s6;
	s7 =	sshll.u32 @p0 s5, $0x11  }
0xaa: {  	s6 =	sor.u32 @p0 s7, s6  }
0xab: {  	[sflag:s6] =	ssyncadd.remote.s32 @p0 $0x1;
	_ =	sdelay $0x1  }
0xac: {  	s6 =	simm.s32 @p0 $0x1B8D  }
0xad: {  	_ =	swait.eq @p0 [sflag:s6], $0x1  }
0xae: {  	[sflag:s6] =	ssyncadd.s32 @p0 $0xFFFFFFFF  }
0xaf: {  	s7 =	sshll.u32 @!p0 s1, $0xE  }
0xb0: {  	s7 =	sor.u32 @!p0 $0x4000, s7;
	s6 =	simm.s32 @!p0 $0x1B8D  }
0xb1: {  	s5 =	sshll.u32 @!p0 s5, $0x11;
	s7 =	sadd.s32 @!p0 $0x11B8D, s7;
	_ =	swait.eq @!p0 [sflag:s6], $0x1  }
0xb2: {  	s5 =	sor.u32 @!p0 s5, s7;
	[sflag:s6] =	ssyncadd.s32 @!p0 $0xFFFFFFFF  }
0xb3: {  	s25 =	simm.s32 $0x1B8E;
	s24 =	sld [smem:$0x3FFE];
	[sflag:s5] =	ssyncadd.remote.s32 @!p0 $0x1  }
0xb4: {  	s26 =	simm.s32 $execute0_lowered;
	[smem:$0x3FD2] =	sst s25  }
0xb5: {  	s6 =	sshll.u32 s26, $0x1;
	_ =	strace $0x80000049;
	[dreg:$0x1] =	wrdreg $0xFFFFFFFF  }
0xb6: {  	s28 =	simm.s32 $_size_execute0_lowered;
	s4 =	sadd.s32 s4, s6;
	[dreg:$0x0] =	wrdreg $0x0  }
0xb7: {  	s6 =	sshll.u32 s28, $0x1;
	[dreg:$0x2] =	wrdreg s4  }
0xb8: {  	[dreg:$0x3] =	wrdreg s6  }
0xb9: {  	[dreg:$0x4] =	wrdreg $0xC0  }
0xba: {  	_ =	task [dreg:s22], $0x5FFFF  }
0xbb: {  	[dreg:$0x1] =	wrdreg $0xFFFFFFFF  }
0xbc: {  	[dreg:$0x0] =	wrdreg $0x60  }
0xbd: {  	[dreg:$0x2] =	wrdreg s18  }
0xbe: {  	[dreg:$0x3] =	wrdreg s24  }
0xbf: {  	[dreg:$0x4] =	wrdreg $0x9F100  }
0xc0: {  	[dreg:$0x5] =	wrdreg $0x9  }
0xc1: {  	_ =	task.clear_ibuf [dreg:s22], $0x6FFFF;
	_ =	strace $0x90000049  }
0xc2: {  	s29 =	simm.s32 $0x9;
	_ =	strace $0x8000004B  }
0xc3: {  	_ =	swait.ge [sflag:s29], $0x1  }
0xc4: {  	[sflag:s29] =	ssyncadd.s32 $0xFFFFFFFF  }
0xc5: {  	_ =	strace $0x9000004B  }
0xc6: {  	_ =	sfence  }
0xc7: {  	s30 =	sld [smem:$0x0];
	_ =	sdelay $0x2  }
0xc8: {  	s31 =	sshll.u32 s1, $0xD;
	s1 =	sshrl.u32 s1, $0x2  }
0xc9: {  	s4 =	sand.u32 $0x4000, s31;
	s1 =	sadd.s32 s1, s30  }
0xca: {  	s0 =	sor.u32 s4, s0;
	s1 =	sshll.u32 s1, $0x11  }
0xcb: {  	s0 =	sor.u32 s1, s0  }
0xcc: {  	s0 =	sadd.s32 $0x8F2B, s0  }
0xcd: {  	[sflag:s0] =	ssyncadd.remote.s32 $0x1  }
0xce: {  	_ =	sfence.sel $0xFFFF  }
0xcf: {  	[dreg:$0x0] =	wrdreg $0xFFFFFFFF;
	(pc) =	sbr.abs _section_cstart, $3  }
0xd0: {  	[dreg:$0x1] =	wrdreg $0xFFFFFFFF  }
0xd1: {  	_ =	task.clear_ibuf [dreg:s22], $0x2FFFF;
	_ =	strace $0x9FFFFFFF  }
0xd2: {  	(tm) =	ssettm $0x7FFFFFFF  }
0xd3: {  	_ =	shalt  }
tec
execute0_lowered:
.L_overlay_start_1:
0x0: {  	(tag) =	ssettag $0x1  }
0x1: {  	s2 =	rddreg [dreg:$0x0]  }
0x2: {  	s6 =	rddreg [dreg:$0x1]  }
0x3: {  	s0 =	srdreg.scid;
	s4 =	rddreg [dreg:$0x2]  }
0x4: {  	s5 =	simm.s32 $0x0;
	s18 =	simm.s32 $0x4F10;
	s19 =	simm.s32 $0x5  }
0x5: {  	s20 =	simm.s32 $0x50;
	s21 =	simm.s32 $0x7710;
	s22 =	simm.s32 $0x4  }
0x6: {  	s23 =	simm.s32 $0x1;
	s1 =	sand.u32 $0x1, s0;
	s0 =	stileid.u32  }
0x7: {  	s24 =	simm.s32 $0x3;
	s25 =	simm.s32 $0x2;
	s8 =	smul.u32 $0x14000, s0  }
0x8: {  	s26 =	simm.s32 $0x0;
	s3 =	sshll.u32 s1, $0x4;
	s9 =	smul.u32 $0x140000, s1  }
0x9: {  	s10 =	smul.u32 $0x50000, s0;
	s31 =	ssub.s32 $0x2, s1;
	s3 =	sor.u32 s0, s3  }
0xa: {  	[smem:$0x7FF] =	sst s5;
	s11 =	sshrl.u32 s31, $0x1;
	s7 =	smul.u32 $0x4EC, s3  }
0xb: {  	s3 =	rddreg [dreg:$0x3];
	_ =	strace $0x8000004A;
	s10 =	sshrl.u32 s10, $0x2  }
0xc: {  	s30 =	sadd.s32 s8, s9;
	s17 =	ssub.s32 s31, s11;
	s13 =	sadd.s32 s10, s4  }
0xd: {  	s17 =	smax.u32 s17, $0x1;
	s15 =	sadd.s32 s7, s6;
	s7 =	sshrl.u32 s30, $0x3  }
0xe: {  	s9 =	sadd.s32 $0x7800, s13;
	s10 =	sadd.s32 $0xA000, s13;
	s11 =	sadd.s32 $0xC800, s13  }
0xf: {  	s12 =	sadd.s32 $0xF000, s13;
	s16 =	sadd.s32 s7, s6;
	s6 =	sadd.s32 s8, s4  }
0x10: {  	s7 =	sadd.s32 $0x2800, s13;
	s8 =	sadd.s32 $0x5000, s13;
	s13 =	sadd.s32 $0x11800, s13  }
0x11: {  	v0 =	vimm.f32 $0.0e+00;
	v1 =	vimm.s32 $0x0;
	s14 =	sadd.s32 $0x15C00, s15;
	s15 =	sadd.s32 $0x1E00, s15;
	s16 =	sadd.s32 $0x1FA00, s16  }
.LBB2_1:
0x12: {  	s28 =	simm.s32 $0x0;
	s29 =	simm.s32 $0x0  }
.LBB2_2:
0x13: {  	p0 =	sne.s32 s29, $0x9FC0  }
.Ltmp0:
0x14: {  	_ = 	snop;
	(pc) =	sbr.rel @p0 .LBB2_2-.Ltmp0, $4  }
0x15: {  	s30 =	sand.u32 $0xFE00, s29  }
0x16: {  	s31 =	sand.u32 $0x70, s28;
	s30 =	sshrl.u32 s30, $0x2  }
0x17: {  	s30 =	sor.u32 s31, s30  }
0x18: {  	s28 =	sadd.s32 $0x10, s28;
	s29 =	sadd.s32 $0x40, s29;
	[tilespmem:s30+$0x4F10] =	vst v0  }
0x19: {  	s28 =	simm.s32 $0x0  }
0x1a: {  	s29 =	sand.u32 $0xFE00, s28  }
0x1b: {  	s30 =	sand.u32 $0x70, s28;
	s31 =	sshrl.u32 s29, $0x2  }
0x1c: {  	s29 =	simm.s32 $0x40;
	s30 =	sor.u32 s30, s31  }
.LBB2_4:
0x1d: {  	p0 =	sne.s32 s29, $0x9FC0  }
0x1e: {  	[tilespmem:s30+$0x7710] =	vst v0;
	s28 =	sadd.s32 $0x10, s28;
	s30 =	smov.u32 s29;
	s29 =	sadd.s32 $0x40, s29  }
.Ltmp1:
0x1f: {  	(pc) =	sbr.rel @p0 .LBB2_4-.Ltmp1, $4  }
0x20: {  	_ = 	snop  }
0x21: {  	s30 =	sand.u32 $0xFE00, s30  }
0x22: {  	s31 =	sand.u32 $0x70, s28;
	s30 =	sshrl.u32 s30, $0x2  }
0x23: {  	s30 =	sor.u32 s31, s30  }
0x24: {  	[tilespmem:s30+$0x7710] =	vst v0  }
0x25: {  	[spmem:s6] =	stream.linear.scatter [tilespmem:s18], [sflag:$0x5], $0x2800, $0x38;
	[tilespmem:$0x1DF10] =	vst v63  }
0x26: {  	_ =	swait.ge [sflag:s19], $0x2800  }
0x27: {  	[sflag:s19] =	ssyncset.done $0x0  }
0x28: {  	[sflag:s19] =	ssyncadd.s32 $0xFFFFD800  }
0x29: {  	[spmem:s7] =	stream.linear.scatter [tilespmem:s18], [sflag:$0x5], $0x2800, $0x38;
	[tilespmem:$0x1DF10] =	vst v63  }
0x2a: {  	_ =	swait.ge [sflag:s19], $0x2800  }
0x2b: {  	[sflag:s19] =	ssyncset.done $0x0  }
0x2c: {  	[sflag:s19] =	ssyncadd.s32 $0xFFFFD800  }
0x2d: {  	[spmem:s8] =	stream.linear.scatter [tilespmem:s18], [sflag:$0x5], $0x2800, $0x38;
	[tilespmem:$0x1DF10] =	vst v63  }
0x2e: {  	_ =	swait.ge [sflag:s19], $0x2800  }
0x2f: {  	[sflag:s19] =	ssyncset.done $0x0  }
0x30: {  	[sflag:s19] =	ssyncadd.s32 $0xFFFFD800  }
0x31: {  	[spmem:s9] =	stream.linear.scatter [tilespmem:s18], [sflag:$0x5], $0x2800, $0x38;
	[tilespmem:$0x1DF10] =	vst v63  }
0x32: {  	_ =	swait.ge [sflag:s19], $0x2800  }
0x33: {  	[sflag:s19] =	ssyncset.done $0x0  }
0x34: {  	[sflag:s19] =	ssyncadd.s32 $0xFFFFD800  }
0x35: {  	[spmem:s10] =	stream.linear.scatter [tilespmem:s18], [sflag:$0x5], $0x2800, $0x38;
	[tilespmem:$0x1DF10] =	vst v63  }
0x36: {  	_ =	swait.ge [sflag:s19], $0x2800  }
0x37: {  	[sflag:s19] =	ssyncset.done $0x0  }
0x38: {  	[sflag:s19] =	ssyncadd.s32 $0xFFFFD800  }
0x39: {  	[spmem:s11] =	stream.linear.scatter [tilespmem:s18], [sflag:$0x5], $0x2800, $0x38;
	[tilespmem:$0x1DF10] =	vst v63  }
0x3a: {  	_ =	swait.ge [sflag:s19], $0x2800  }
0x3b: {  	[sflag:s19] =	ssyncset.done $0x0  }
0x3c: {  	[sflag:s19] =	ssyncadd.s32 $0xFFFFD800  }
0x3d: {  	[spmem:s12] =	stream.linear.scatter [tilespmem:s18], [sflag:$0x5], $0x2800, $0x38;
	[tilespmem:$0x1DF10] =	vst v63  }
0x3e: {  	_ =	swait.ge [sflag:s19], $0x2800  }
0x3f: {  	[sflag:s19] =	ssyncset.done $0x0  }
0x40: {  	[sflag:s19] =	ssyncadd.s32 $0xFFFFD800  }
0x41: {  	[spmem:s13] =	stream.linear.scatter [tilespmem:s18], [sflag:$0x5], $0x2800, $0x38;
	[tilespmem:$0x1DF10] =	vst v63  }
0x42: {  	_ =	swait.ge [sflag:s19], $0x2800  }
0x43: {  	[sflag:s19] =	ssyncset.done $0x0  }
0x44: {  	[sflag:s19] =	ssyncadd.s32 $0xFFFFD800  }
0x45: {  	[bflag:$0x0] =	sbarrier.arrive $0xFFFF  }
0x46: {  	[tilespmem:s5], [sflag:$0x5] =	stream.linear.gather [hbm4b:s14+s5], $0x2760, $0x38;
	[tilespmem:$0x1DF10] =	vst v63  }
0x47: {  	_ =	swait.ge [sflag:s19], $0x2760  }
0x48: {  	[sflag:s19] =	ssyncset.done $0x0  }
0x49: {  	[sflag:s19] =	ssyncadd.s32 $0xFFFFD8A0  }
0x4a: {  	[tilespmem:$0x2760] =	vst v1  }
0x4b: {  	[tilespmem:$0x2770] =	vst v1  }
0x4c: {  	[tilespmem:$0x2780] =	vst v1  }
0x4d: {  	[tilespmem:$0x2790] =	vst v1  }
0x4e: {  	s28 =	simm.s32 $0x27B0;
	[tilespmem:$0x27A0] =	vst v1  }
0x4f: {  	[tilespmem:s28], [sflag:$0x5] =	stream.linear.gather [hbm4b:s15+s5], $0x2760, $0x38;
	[tilespmem:$0x1DF10] =	vst v63  }
0x50: {  	_ =	swait.ge [sflag:s19], $0x2760  }
0x51: {  	[sflag:s19] =	ssyncset.done $0x0  }
0x52: {  	[sflag:s19] =	ssyncadd.s32 $0xFFFFD8A0  }
0x53: {  	[spmem:s4] =	stream.indirect.scatter.add.f32 [tilespmem:s21], [sflag:$0x4], $0x80, s28, s20, $0xb8;
	[tilespmem:$0x1DF10] =	vst v63  }
0x54: {  	s29 =	simm.s32 $0x1;
	s30 =	simm.s32 $0xA0  }
0x55: {  	[tilespmem:s18], [sflag:$0x1] =	stream.indirect.gather [hbm4b:s2+s20], $0x80, s5, s20, $0xb8;
	[tilespmem:$0x1DF10] =	vst v63  }
.LBB2_6:
0x56: {  	_ =	swait.ge [sflag:s22], $0x2800  }
0x57: {  	[sflag:s22] =	ssyncset.done $0x0  }
0x58: {  	s31 =	sadd.s32 $0xFFFFFFB0, s30;
	[sflag:s22] =	ssyncadd.s32 $0xFFFFD800  }
0x59: {  	[tilespmem:s21], [sflag:$0x2] =	stream.indirect.gather [hbm4b:s2+s20], $0x80, s31, s20, $0xb8;
	[tilespmem:$0x1DF10] =	vst v63  }
0x5a: {  	_ =	swait.ge [sflag:s23], $0x2800  }
0x5b: {  	[sflag:s23] =	ssyncset.done $0x0  }
0x5c: {  	[sflag:s23] =	ssyncadd.s32 $0xFFFFD800  }
0x5d: {  	[spmem:s4] =	stream.indirect.scatter.add.f32 [tilespmem:s18], [sflag:$0x3], $0x80, s28, s20, $0xb8;
	[tilespmem:$0x1DF10] =	vst v63  }
0x5e: {  	_ =	swait.ge [sflag:s24], $0x2800  }
0x5f: {  	[sflag:s24] =	ssyncset.done $0x0  }
0x60: {  	[sflag:s24] =	ssyncadd.s32 $0xFFFFD800  }
0x61: {  	[tilespmem:s18], [sflag:$0x1] =	stream.indirect.gather [hbm4b:s2+s20], $0x80, s30, s20, $0xb8;
	[tilespmem:$0x1DF10] =	vst v63  }
0x62: {  	_ =	swait.ge [sflag:s25], $0x2800  }
0x63: {  	[sflag:s25] =	ssyncset.done $0x0  }
0x64: {  	s31 =	sadd.s32 $0x50, s28;
	[sflag:s25] =	ssyncadd.s32 $0xFFFFD800  }
0x65: {  	[spmem:s4] =	stream.indirect.scatter.add.f32 [tilespmem:s21], [sflag:$0x4], $0x80, s31, s20, $0xb8;
	[tilespmem:$0x1DF10] =	vst v63  }
0x66: {  	s31 =	sxor.u32 s29, s1  }
0x67: {  	p0 =	sne.s32 s31, $0x3F  }
.Ltmp2:
0x68: {  	_ = 	snop;
	(pc) =	sbr.rel @p0 .LBB2_6-.Ltmp2, $2  }
0x69: {  	_ =	sdelay $0x2  }
0x6a: {  	s28 =	sadd.s32 $0xA0, s28;
	s30 =	sadd.s32 $0xA0, s30;
	s29 =	sadd.s32 $0x1, s29  }
0x6b: {  	_ =	swait.ge [sflag:s22], $0x2800  }
0x6c: {  	[sflag:s22] =	ssyncset.done $0x0  }
0x6d: {  	[sflag:s22] =	ssyncadd.s32 $0xFFFFD800  }
0x6e: {  	_ =	swait.ge [sflag:s23], $0x2800  }
0x6f: {  	s28 =	sshll.u32 s0, $0x6;
	s26 =	sadd.s32 $0x1, s26;
	[sflag:s23] =	ssyncset.done $0x0  }
0x70: {  	s29 =	sshrl.u32 s6, $0x3;
	p0 =	sne.s32 s26, s17;
	[sflag:s23] =	ssyncadd.s32 $0xFFFFD800  }
.Ltmp3:
0x71: {  	s28 =	sor.u32 $0x1C05, s28;
	[bflag:$0x0] =	sbarrier.arrive $0xFFFF;
	(pc) =	sbr.rel @p0 .LBB2_1-.Ltmp3, $4  }
0x72: {  	[hbm:s16], [sflag:s28] =	dma.local [spmem:s29], $0x2800  }
0x73: {  	_ =	swait.ge [sflag:s19], $0x2800  }
0x74: {  	[sflag:s19] =	ssyncset.done $0x0  }
0x75: {  	[sflag:s19] =	ssyncadd.s32 $0xFFFFD800  }
0x76: {  	_ =	sfence.sel $0x180000  }
0x77: {  	[bflag:$0x0] =	sbarrier.arrive $0xFFFF  }
0x78: {  	p0 =	sne.s32 s0, $0x0;
	_ =	strace $0x9000004A  }
0x79: {  	s0 =	sadd.s32 @!p0 $0x100000, s3;
	[bflag:$0x2] =	sbarrier.arrive $0xFFFF  }
0x7a: {  	[sflag:s0] =	ssyncadd.tile.s32 @!p0 $0x1;
	_ =	shalt  }
.Lfunc_end2:
_tile_overlayer_lowered:
.L_overlay_start_2:
0x7b: {  	(tag) =	ssettag $0x2  }
0x7c: {  	s0 =	rddreg [dreg:$0x0];
	s2 =	stileid.u32  }
0x7d: {  	s1 =	rddreg [dreg:$0x1];
	p0 =	sne.s32 s2, $0x0  }
0x7e: {  	s3 =	rddreg [dreg:$0x2];
	[bflag:$0x3] =	sbarrier.arrive $0xFFFF;
	s2 =	simm.s32 @!p0 $0x1C05  }
0x7f: {  	[timem:s3], [sflag:s2] =	dma.local @!p0 [hbm:s0], s1  }
0x80: {  	s0 =	simm.s32 @!p0 $0x5  }
0x81: {  	_ =	swait.ge @!p0 [sflag:s0], s1  }
0x82: {  	s1 =	ssub.s32 @!p0 $0x0, s1;
	[sflag:s0] =	ssyncset.done @!p0 $0x0  }
0x83: {  	[sflag:s0] =	ssyncadd.s32 @!p0 s1  }
0x84: {  	[bflag:$0x3] =	sbarrier.arrive $0xFFFF  }
0x85: {  	_ =	shalt  }

</sc_bundles>
